<compile_context>
chip_gen: v7x
topology: tpu7x:2x2x1
jax: 0.10.2.dev20260603
libtpu: 0.0.44.dev20260713+nightly
codegen_flags: <defaults>
</compile_context>

<pallas_src>
import functools

import jax
import jax.numpy as jnp
from jax import lax
from jax.experimental import pallas as pl
from jax.experimental.pallas import tpu as pltpu
from jax.experimental.pallas import tpu_sc as plsc


def _sc_call(x_flat, rt_flat, *, S, H, max_len):
    NW = 32
    JW = S // NW
    CI = 8
    NCH = S // CI
    XB = JW * H
    W = (CI + JW - 1) * H
    ROW = S * H

    mesh = plsc.VectorSubcoreMesh(core_axis_name="c", subcore_axis_name="s")

    @functools.partial(
        pl.kernel,
        mesh=mesh,
        out_type=jax.ShapeDtypeStruct((S * S * H,), jnp.float32),
        scratch_types=[
            pltpu.VMEM((XB,), jnp.float32),
            pltpu.VMEM((W,), jnp.float32),
            pltpu.VMEM((W,), jnp.float32),
            pltpu.VMEM((CI * XB,), jnp.float32),
            pltpu.VMEM((CI * XB,), jnp.float32),
            pltpu.SemaphoreType.DMA,
            pltpu.SemaphoreType.DMA,
            pltpu.SemaphoreType.DMA,
            pltpu.SemaphoreType.DMA,
        ],
    )
    def k(x_hbm, rt_hbm, out_hbm, xbuf, rta, rtb, outa, outb,
          sla, slb, soa, sob):
        wid = lax.axis_index("s") * 2 + lax.axis_index("c")
        j0 = wid * JW

        def rt_src(c):
            start = (max_len - c * CI - (CI - 1) + j0) * H
            return rt_hbm.at[pl.ds(start, W)]

        def compute(rtbuf, outbuf):
            @plsc.parallel_loop(0, XB, 16, unroll=2)
            def _inner(b):
                xv = xbuf[pl.ds(b, 16)]
                for r in range(CI):
                    outbuf[pl.ds(r * XB + b, 16)] = (
                        xv + rtbuf[pl.ds((CI - 1 - r) * H + b, 16)]
                    )

        def out_start(outbuf, sem, c):
            for r in range(CI):
                pltpu.make_async_copy(
                    outbuf.at[pl.ds(r * XB, XB)],
                    out_hbm.at[pl.ds((c * CI + r) * ROW + j0 * H, XB)],
                    sem,
                ).start()

        def out_wait(outbuf, sem):
            pltpu.make_async_copy(
                outbuf, out_hbm.at[pl.ds(0, CI * XB)], sem
            ).wait()

        pltpu.sync_copy(x_hbm.at[pl.ds(j0 * H, XB)], xbuf)
        pltpu.make_async_copy(rt_src(1), rtb, slb).start()
        pltpu.sync_copy(rt_src(0), rta)
        compute(rta, outa)
        out_start(outa, soa, 0)
        pltpu.make_async_copy(rt_src(2), rta, sla).start()
        pltpu.make_async_copy(rt_src(1), rtb, slb).wait()
        compute(rtb, outb)
        out_start(outb, sob, 1)

        def pair(cp, carry):
            ca = 2 * cp
            cb = 2 * cp + 1
            ca_next = jnp.minimum(ca + 2, NCH - 1)
            pltpu.make_async_copy(rt_src(cb), rtb, slb).start()
            pltpu.make_async_copy(rt_src(ca), rta, sla).wait()
            out_wait(outa, soa)
            compute(rta, outa)
            out_start(outa, soa, ca)
            pltpu.make_async_copy(rt_src(ca_next), rta, sla).start()
            pltpu.make_async_copy(rt_src(cb), rtb, slb).wait()
            out_wait(outb, sob)
            compute(rtb, outb)
            out_start(outb, sob, cb)
            return carry

        lax.fori_loop(1, NCH // 2, pair, 0)

        pltpu.make_async_copy(rt_src(NCH - 1), rta, sla).wait()
        out_wait(outa, soa)
        out_wait(outb, sob)

    return k(x_flat, rt_flat)


def kernel(x, rel_pos_embeddings):
    _, S, H = x.shape
    n_rows = rel_pos_embeddings.shape[0]
    max_len = (n_rows - 1) // 2
    pad = (-n_rows) % 8
    rt = jnp.pad(jnp.flip(rel_pos_embeddings, axis=0), ((0, pad), (0, 0)))
    out = _sc_call(
        x.reshape(S * H), rt.reshape(-1), S=S, H=H, max_len=max_len
    )
    return out.reshape(S, S, H)

# --- scband reference (transcript-rebuilt; emitter-appended) ---
"""Pipeline reference for scband-relative-positional-encoding-9423158248088 (READ-ONLY COPY).

The authoritative reference and input builder live on the scoring server;
editing this copy changes nothing except your own understanding.
"""

import jax, jax.numpy as jnp
import numpy as np


def setup_inputs(seed: int = 0) -> dict:
    key = jax.random.key(seed)
    k1, k2 = jax.random.split(key)
    hidden_dim = 128
    max_len = 1024
    x = jax.random.normal(k1, (1, 1024, hidden_dim), dtype=jnp.float32)
    rel_pos_embeddings = jax.random.normal(k2, (2 * max_len + 1, hidden_dim), dtype=jnp.float32)
    return {"x": x, "rel_pos_embeddings": rel_pos_embeddings}


def reference(x, rel_pos_embeddings):
    batch_size, seq_len, hidden_dim = x.shape
    max_len = (rel_pos_embeddings.shape[0] - 1) // 2
    pos_indices = jnp.arange(seq_len)
    rel_pos_indices = pos_indices[:, None] - pos_indices[None, :]
    rel_pos_indices = rel_pos_indices + max_len
    rel_pos_emb = jnp.take(rel_pos_embeddings, rel_pos_indices, axis=0)
    return x + rel_pos_emb

if __name__ == "__main__":
    import jax
    _d = setup_inputs()
    print(jax.jit(kernel)(*tuple(_d.values())))

</pallas_src>

<mosaic_0001>
#map = affine_map<(d0, d1) -> (0)>
module attributes {stable_mosaic.version = 14 : i64} {
  func.func @k(%arg0: i32, %arg1: i32, %arg2: memref<131072xf32, #tpu.memory_space<hbm>>, %arg3: memref<263168xf32, #tpu.memory_space<hbm>>, %arg4: memref<134217728xf32, #tpu.memory_space<hbm>>, %arg5: memref<4096xf32, #tpu.memory_space<vmem>>, %arg6: memref<4992xf32, #tpu.memory_space<vmem>>, %arg7: memref<4992xf32, #tpu.memory_space<vmem>>, %arg8: memref<32768xf32, #tpu.memory_space<vmem>>, %arg9: memref<32768xf32, #tpu.memory_space<vmem>>, %arg10: memref<!tpu.dma_semaphore, #tpu.memory_space<semaphore_mem>>, %arg11: memref<!tpu.dma_semaphore, #tpu.memory_space<semaphore_mem>>, %arg12: memref<!tpu.dma_semaphore, #tpu.memory_space<semaphore_mem>>, %arg13: memref<!tpu.dma_semaphore, #tpu.memory_space<semaphore_mem>>) attributes {dimension_semantics = [#tpu.dimension_semantics<core_parallel>, #tpu.dimension_semantics<subcore_parallel>], iteration_bounds = array<i64: 2, 16>, scalar_prefetch = 0 : i64, scratch_operands = 9 : i64, tpu.core_type = #tpu.core_type<sc_vector_subcore>, window_params = [{transform_indices = #map}, {transform_indices = #map}, {transform_indices = #map}]} {
    %mul3A = arith.constant 2 : i32
    %mul3A_0 = arith.muli %arg1, %mul3A : i32
    %add3A = arith.addi %mul3A_0, %arg0 : i32
    %mul3A_1 = arith.constant 32 : i32
    %mul3A_2 = arith.muli %add3A, %mul3A_1 : i32
    %mul3A_3 = arith.constant 128 : i32
    %mul3A_4 = arith.muli %mul3A_2, %mul3A_3 : i32
    "tpu.region"() ({
      %run_scoped3A = tpu.sem_alloc : memref<!tpu.dma_semaphore, #tpu.memory_space<semaphore_mem>>
      %dma_start3A_209 = tpu.memref_slice %arg2[%mul3A_4] : memref<131072xf32, #tpu.memory_space<hbm>> -> memref<4096xf32, #tpu.memory_space<hbm>>
      %dma_start3A_210 = tpu.memref_slice %arg2[%mul3A_4] : memref<131072xf32, #tpu.memory_space<hbm>> -> memref<4096xf32, #tpu.memory_space<hbm>>
      tpu.enqueue_dma source(%dma_start3A_210 : memref<4096xf32, #tpu.memory_space<hbm>>) target(%arg5 : memref<4096xf32, #tpu.memory_space<vmem>>) target_semaphore(%run_scoped3A : memref<!tpu.dma_semaphore, #tpu.memory_space<semaphore_mem>>)
      %dma_wait3A_211 = tpu.memref_slice %arg2[%mul3A_4] : memref<131072xf32, #tpu.memory_space<hbm>> -> memref<4096xf32, #tpu.memory_space<hbm>>
      %dma_wait3A_212 = tpu.memref_slice %arg2[%mul3A_4] : memref<131072xf32, #tpu.memory_space<hbm>> -> memref<4096xf32, #tpu.memory_space<hbm>>
      tpu.wait_dma2 semaphore(%run_scoped3A : memref<!tpu.dma_semaphore, #tpu.memory_space<semaphore_mem>>) src(%dma_wait3A_212 : memref<4096xf32, #tpu.memory_space<hbm>>) dst(%arg5 : memref<4096xf32, #tpu.memory_space<vmem>>)
      tpu.yield
    }) : () -> ()
    %add3A_5 = arith.constant 1009 : i32
    %add3A_6 = arith.addi %add3A_5, %mul3A_2 : i32
    %mul3A_7 = arith.constant 128 : i32
    %mul3A_8 = arith.muli %add3A_6, %mul3A_7 : i32
    %dma_start3A = tpu.memref_slice %arg3[%mul3A_8] : memref<263168xf32, #tpu.memory_space<hbm>> -> memref<4992xf32, #tpu.memory_space<hbm>>
    %dma_start3A_9 = tpu.memref_slice %arg3[%mul3A_8] : memref<263168xf32, #tpu.memory_space<hbm>> -> memref<4992xf32, #tpu.memory_space<hbm>>
    tpu.enqueue_dma source(%dma_start3A_9 : memref<4992xf32, #tpu.memory_space<hbm>>) target(%arg7 : memref<4992xf32, #tpu.memory_space<vmem>>) target_semaphore(%arg11 : memref<!tpu.dma_semaphore, #tpu.memory_space<semaphore_mem>>)
    %add3A_10 = arith.constant 1017 : i32
    %add3A_11 = arith.addi %add3A_10, %mul3A_2 : i32
    %mul3A_12 = arith.constant 128 : i32
    %mul3A_13 = arith.muli %add3A_11, %mul3A_12 : i32
    "tpu.region"() ({
      %run_scoped3A = tpu.sem_alloc : memref<!tpu.dma_semaphore, #tpu.memory_space<semaphore_mem>>
      %dma_start3A_209 = tpu.memref_slice %arg3[%mul3A_13] : memref<263168xf32, #tpu.memory_space<hbm>> -> memref<4992xf32, #tpu.memory_space<hbm>>
      %dma_start3A_210 = tpu.memref_slice %arg3[%mul3A_13] : memref<263168xf32, #tpu.memory_space<hbm>> -> memref<4992xf32, #tpu.memory_space<hbm>>
      tpu.enqueue_dma source(%dma_start3A_210 : memref<4992xf32, #tpu.memory_space<hbm>>) target(%arg6 : memref<4992xf32, #tpu.memory_space<vmem>>) target_semaphore(%run_scoped3A : memref<!tpu.dma_semaphore, #tpu.memory_space<semaphore_mem>>)
      %dma_wait3A_211 = tpu.memref_slice %arg3[%mul3A_13] : memref<263168xf32, #tpu.memory_space<hbm>> -> memref<4992xf32, #tpu.memory_space<hbm>>
      %dma_wait3A_212 = tpu.memref_slice %arg3[%mul3A_13] : memref<263168xf32, #tpu.memory_space<hbm>> -> memref<4992xf32, #tpu.memory_space<hbm>>
      tpu.wait_dma2 semaphore(%run_scoped3A : memref<!tpu.dma_semaphore, #tpu.memory_space<semaphore_mem>>) src(%dma_wait3A_212 : memref<4992xf32, #tpu.memory_space<hbm>>) dst(%arg6 : memref<4992xf32, #tpu.memory_space<vmem>>)
      tpu.yield
    }) : () -> ()
    %parallel_loop3A = arith.constant 0 : i32
    %parallel_loop3A_14 = arith.constant 4096 : i32
    %parallel_loop3A_15 = arith.constant 16 : i32
    scf.for %parallel_loop3A_209 = %parallel_loop3A to %parallel_loop3A_14 step %parallel_loop3A_15  : i32 {
      %parallel_loop3A_210 = arith.index_cast %parallel_loop3A_209 : i32 to index
      %parallel_loop3A_211 = tpu.vector_load %arg5[%parallel_loop3A_210] {strides = array<i32>} : memref<4096xf32, #tpu.memory_space<vmem>>, vector<16xf32>,
      %parallel_loop3A_212 = vector.shape_cast %parallel_loop3A_211 : vector<16xf32> to vector<16xf32>
      %parallel_loop3A_213 = arith.constant 896 : i32
      %parallel_loop3A_214 = arith.addi %parallel_loop3A_213, %parallel_loop3A_209 : i32
      %parallel_loop3A_215 = arith.index_cast %parallel_loop3A_214 : i32 to index
      %parallel_loop3A_216 = tpu.vector_load %arg6[%parallel_loop3A_215] {strides = array<i32>} : memref<4992xf32, #tpu.memory_space<vmem>>, vector<16xf32>,
      %parallel_loop3A_217 = vector.shape_cast %parallel_loop3A_216 : vector<16xf32> to vector<16xf32>
      %parallel_loop3A_218 = arith.addf %parallel_loop3A_212, %parallel_loop3A_217 : vector<16xf32>
      %parallel_loop3A_219 = arith.constant 0 : i32
      %parallel_loop3A_220 = arith.addi %parallel_loop3A_219, %parallel_loop3A_209 : i32
      %parallel_loop3A_221 = arith.index_cast %parallel_loop3A_220 : i32 to index
      %parallel_loop3A_222 = tpu.vector_load %arg8[%parallel_loop3A_221] {strides = array<i32>} : memref<32768xf32, #tpu.memory_space<vmem>>, vector<16xf32>,
      %parallel_loop3A_223 = vector.shape_cast %parallel_loop3A_222 : vector<16xf32> to vector<16xf32>
      %parallel_loop3A_224 = vector.shape_cast %parallel_loop3A_218 : vector<16xf32> to vector<16xf32>
      tpu.vector_store %arg8[%parallel_loop3A_221], %parallel_loop3A_224 {strides = array<i32>} : memref<32768xf32, #tpu.memory_space<vmem>>, vector<16xf32>,
      %parallel_loop3A_225 = arith.constant 768 : i32
      %parallel_loop3A_226 = arith.addi %parallel_loop3A_225, %parallel_loop3A_209 : i32
      %parallel_loop3A_227 = arith.index_cast %parallel_loop3A_226 : i32 to index
      %parallel_loop3A_228 = tpu.vector_load %arg6[%parallel_loop3A_227] {strides = array<i32>} : memref<4992xf32, #tpu.memory_space<vmem>>, vector<16xf32>,
      %parallel_loop3A_229 = vector.shape_cast %parallel_loop3A_228 : vector<16xf32> to vector<16xf32>
      %parallel_loop3A_230 = arith.addf %parallel_loop3A_212, %parallel_loop3A_229 : vector<16xf32>
      %parallel_loop3A_231 = arith.constant 4096 : i32
      %parallel_loop3A_232 = arith.addi %parallel_loop3A_231, %parallel_loop3A_209 : i32
      %parallel_loop3A_233 = arith.index_cast %parallel_loop3A_232 : i32 to index
      %parallel_loop3A_234 = tpu.vector_load %arg8[%parallel_loop3A_233] {strides = array<i32>} : memref<32768xf32, #tpu.memory_space<vmem>>, vector<16xf32>,
      %parallel_loop3A_235 = vector.shape_cast %parallel_loop3A_234 : vector<16xf32> to vector<16xf32>
      %parallel_loop3A_236 = vector.shape_cast %parallel_loop3A_230 : vector<16xf32> to vector<16xf32>
      tpu.vector_store %arg8[%parallel_loop3A_233], %parallel_loop3A_236 {strides = array<i32>} : memref<32768xf32, #tpu.memory_space<vmem>>, vector<16xf32>,
      %parallel_loop3A_237 = arith.constant 640 : i32
      %parallel_loop3A_238 = arith.addi %parallel_loop3A_237, %parallel_loop3A_209 : i32
      %parallel_loop3A_239 = arith.index_cast %parallel_loop3A_238 : i32 to index
      %parallel_loop3A_240 = tpu.vector_load %arg6[%parallel_loop3A_239] {strides = array<i32>} : memref<4992xf32, #tpu.memory_space<vmem>>, vector<16xf32>,
      %parallel_loop3A_241 = vector.shape_cast %parallel_loop3A_240 : vector<16xf32> to vector<16xf32>
      %parallel_loop3A_242 = arith.addf %parallel_loop3A_212, %parallel_loop3A_241 : vector<16xf32>
      %parallel_loop3A_243 = arith.constant 8192 : i32
      %parallel_loop3A_244 = arith.addi %parallel_loop3A_243, %parallel_loop3A_209 : i32
      %parallel_loop3A_245 = arith.index_cast %parallel_loop3A_244 : i32 to index
      %parallel_loop3A_246 = tpu.vector_load %arg8[%parallel_loop3A_245] {strides = array<i32>} : memref<32768xf32, #tpu.memory_space<vmem>>, vector<16xf32>,
      %parallel_loop3A_247 = vector.shape_cast %parallel_loop3A_246 : vector<16xf32> to vector<16xf32>
      %parallel_loop3A_248 = vector.shape_cast %parallel_loop3A_242 : vector<16xf32> to vector<16xf32>
      tpu.vector_store %arg8[%parallel_loop3A_245], %parallel_loop3A_248 {strides = array<i32>} : memref<32768xf32, #tpu.memory_space<vmem>>, vector<16xf32>,
      %parallel_loop3A_249 = arith.constant 512 : i32
      %parallel_loop3A_250 = arith.addi %parallel_loop3A_249, %parallel_loop3A_209 : i32
      %parallel_loop3A_251 = arith.index_cast %parallel_loop3A_250 : i32 to index
      %parallel_loop3A_252 = tpu.vector_load %arg6[%parallel_loop3A_251] {strides = array<i32>} : memref<4992xf32, #tpu.memory_space<vmem>>, vector<16xf32>,
      %parallel_loop3A_253 = vector.shape_cast %parallel_loop3A_252 : vector<16xf32> to vector<16xf32>
      %parallel_loop3A_254 = arith.addf %parallel_loop3A_212, %parallel_loop3A_253 : vector<16xf32>
      %parallel_loop3A_255 = arith.constant 12288 : i32
      %parallel_loop3A_256 = arith.addi %parallel_loop3A_255, %parallel_loop3A_209 : i32
      %parallel_loop3A_257 = arith.index_cast %parallel_loop3A_256 : i32 to index
      %parallel_loop3A_258 = tpu.vector_load %arg8[%parallel_loop3A_257] {strides = array<i32>} : memref<32768xf32, #tpu.memory_space<vmem>>, vector<16xf32>,
      %parallel_loop3A_259 = vector.shape_cast %parallel_loop3A_258 : vector<16xf32> to vector<16xf32>
      %parallel_loop3A_260 = vector.shape_cast %parallel_loop3A_254 : vector<16xf32> to vector<16xf32>
      tpu.vector_store %arg8[%parallel_loop3A_257], %parallel_loop3A_260 {strides = array<i32>} : memref<32768xf32, #tpu.memory_space<vmem>>, vector<16xf32>,
      %parallel_loop3A_261 = arith.constant 384 : i32
      %parallel_loop3A_262 = arith.addi %parallel_loop3A_261, %parallel_loop3A_209 : i32
      %parallel_loop3A_263 = arith.index_cast %parallel_loop3A_262 : i32 to index
      %parallel_loop3A_264 = tpu.vector_load %arg6[%parallel_loop3A_263] {strides = array<i32>} : memref<4992xf32, #tpu.memory_space<vmem>>, vector<16xf32>,
      %parallel_loop3A_265 = vector.shape_cast %parallel_loop3A_264 : vector<16xf32> to vector<16xf32>
      %parallel_loop3A_266 = arith.addf %parallel_loop3A_212, %parallel_loop3A_265 : vector<16xf32>
      %parallel_loop3A_267 = arith.constant 16384 : i32
      %parallel_loop3A_268 = arith.addi %parallel_loop3A_267, %parallel_loop3A_209 : i32
      %parallel_loop3A_269 = arith.index_cast %parallel_loop3A_268 : i32 to index
      %parallel_loop3A_270 = tpu.vector_load %arg8[%parallel_loop3A_269] {strides = array<i32>} : memref<32768xf32, #tpu.memory_space<vmem>>, vector<16xf32>,
      %parallel_loop3A_271 = vector.shape_cast %parallel_loop3A_270 : vector<16xf32> to vector<16xf32>
      %parallel_loop3A_272 = vector.shape_cast %parallel_loop3A_266 : vector<16xf32> to vector<16xf32>
      tpu.vector_store %arg8[%parallel_loop3A_269], %parallel_loop3A_272 {strides = array<i32>} : memref<32768xf32, #tpu.memory_space<vmem>>, vector<16xf32>,
      %parallel_loop3A_273 = arith.constant 256 : i32
      %parallel_loop3A_274 = arith.addi %parallel_loop3A_273, %parallel_loop3A_209 : i32
      %parallel_loop3A_275 = arith.index_cast %parallel_loop3A_274 : i32 to index
      %parallel_loop3A_276 = tpu.vector_load %arg6[%parallel_loop3A_275] {strides = array<i32>} : memref<4992xf32, #tpu.memory_space<vmem>>, vector<16xf32>,
      %parallel_loop3A_277 = vector.shape_cast %parallel_loop3A_276 : vector<16xf32> to vector<16xf32>
      %parallel_loop3A_278 = arith.addf %parallel_loop3A_212, %parallel_loop3A_277 : vector<16xf32>
      %parallel_loop3A_279 = arith.constant 20480 : i32
      %parallel_loop3A_280 = arith.addi %parallel_loop3A_279, %parallel_loop3A_209 : i32
      %parallel_loop3A_281 = arith.index_cast %parallel_loop3A_280 : i32 to index
      %parallel_loop3A_282 = tpu.vector_load %arg8[%parallel_loop3A_281] {strides = array<i32>} : memref<32768xf32, #tpu.memory_space<vmem>>, vector<16xf32>,
      %parallel_loop3A_283 = vector.shape_cast %parallel_loop3A_282 : vector<16xf32> to vector<16xf32>
      %parallel_loop3A_284 = vector.shape_cast %parallel_loop3A_278 : vector<16xf32> to vector<16xf32>
      tpu.vector_store %arg8[%parallel_loop3A_281], %parallel_loop3A_284 {strides = array<i32>} : memref<32768xf32, #tpu.memory_space<vmem>>, vector<16xf32>,
      %parallel_loop3A_285 = arith.constant 128 : i32
      %parallel_loop3A_286 = arith.addi %parallel_loop3A_285, %parallel_loop3A_209 : i32
      %parallel_loop3A_287 = arith.index_cast %parallel_loop3A_286 : i32 to index
      %parallel_loop3A_288 = tpu.vector_load %arg6[%parallel_loop3A_287] {strides = array<i32>} : memref<4992xf32, #tpu.memory_space<vmem>>, vector<16xf32>,
      %parallel_loop3A_289 = vector.shape_cast %parallel_loop3A_288 : vector<16xf32> to vector<16xf32>
      %parallel_loop3A_290 = arith.addf %parallel_loop3A_212, %parallel_loop3A_289 : vector<16xf32>
      %parallel_loop3A_291 = arith.constant 24576 : i32
      %parallel_loop3A_292 = arith.addi %parallel_loop3A_291, %parallel_loop3A_209 : i32
      %parallel_loop3A_293 = arith.index_cast %parallel_loop3A_292 : i32 to index
      %parallel_loop3A_294 = tpu.vector_load %arg8[%parallel_loop3A_293] {strides = array<i32>} : memref<32768xf32, #tpu.memory_space<vmem>>, vector<16xf32>,
      %parallel_loop3A_295 = vector.shape_cast %parallel_loop3A_294 : vector<16xf32> to vector<16xf32>
      %parallel_loop3A_296 = vector.shape_cast %parallel_loop3A_290 : vector<16xf32> to vector<16xf32>
      tpu.vector_store %arg8[%parallel_loop3A_293], %parallel_loop3A_296 {strides = array<i32>} : memref<32768xf32, #tpu.memory_space<vmem>>, vector<16xf32>,
      %parallel_loop3A_297 = arith.constant 0 : i32
      %parallel_loop3A_298 = arith.addi %parallel_loop3A_297, %parallel_loop3A_209 : i32
      %parallel_loop3A_299 = arith.index_cast %parallel_loop3A_298 : i32 to index
      %parallel_loop3A_300 = tpu.vector_load %arg6[%parallel_loop3A_299] {strides = array<i32>} : memref<4992xf32, #tpu.memory_space<vmem>>, vector<16xf32>,
      %parallel_loop3A_301 = vector.shape_cast %parallel_loop3A_300 : vector<16xf32> to vector<16xf32>
      %parallel_loop3A_302 = arith.addf %parallel_loop3A_212, %parallel_loop3A_301 : vector<16xf32>
      %parallel_loop3A_303 = arith.constant 28672 : i32
      %parallel_loop3A_304 = arith.addi %parallel_loop3A_303, %parallel_loop3A_209 : i32
      %parallel_loop3A_305 = arith.index_cast %parallel_loop3A_304 : i32 to index
      %parallel_loop3A_306 = tpu.vector_load %arg8[%parallel_loop3A_305] {strides = array<i32>} : memref<32768xf32, #tpu.memory_space<vmem>>, vector<16xf32>,
      %parallel_loop3A_307 = vector.shape_cast %parallel_loop3A_306 : vector<16xf32> to vector<16xf32>
      %parallel_loop3A_308 = vector.shape_cast %parallel_loop3A_302 : vector<16xf32> to vector<16xf32>
      tpu.vector_store %arg8[%parallel_loop3A_305], %parallel_loop3A_308 {strides = array<i32>} : memref<32768xf32, #tpu.memory_space<vmem>>, vector<16xf32>,
    } {sc.loop_unroll_factor = 2 : i64, sc.parallel_access}
    %mul3A_16 = arith.constant 128 : i32
    %mul3A_17 = arith.muli %mul3A_2, %mul3A_16 : i32
    %add3A_18 = arith.constant 0 : i32
    %add3A_19 = arith.addi %add3A_18, %mul3A_17 : i32
    %dma_start3A_20 = arith.constant 0 : i32
    %dma_start3A_21 = tpu.memref_slice %arg8[%dma_start3A_20] : memref<32768xf32, #tpu.memory_space<vmem>> -> memref<4096xf32, #tpu.memory_space<vmem>>
    %dma_start3A_22 = tpu.memref_slice %arg4[%add3A_19] : memref<134217728xf32, #tpu.memory_space<hbm>> -> memref<4096xf32, #tpu.memory_space<hbm>>
    %dma_start3A_23 = tpu.memref_slice %arg4[%add3A_19] : memref<134217728xf32, #tpu.memory_space<hbm>> -> memref<4096xf32, #tpu.memory_space<hbm>>
    %dma_start3A_24 = arith.constant 0 : i32
    %dma_start3A_25 = tpu.memref_slice %arg8[%dma_start3A_24] : memref<32768xf32, #tpu.memory_space<vmem>> -> memref<4096xf32, #tpu.memory_space<vmem>>
    tpu.enqueue_dma source(%dma_start3A_25 : memref<4096xf32, #tpu.memory_space<vmem>>) target(%dma_start3A_23 : memref<4096xf32, #tpu.memory_space<hbm>>) target_semaphore(%arg12 : memref<!tpu.dma_semaphore, #tpu.memory_space<semaphore_mem>>)
    %mul3A_26 = arith.constant 128 : i32
    %mul3A_27 = arith.muli %mul3A_2, %mul3A_26 : i32
    %add3A_28 = arith.constant 131072 : i32
    %add3A_29 = arith.addi %add3A_28, %mul3A_27 : i32
    %dma_start3A_30 = arith.constant 4096 : i32
    %dma_start3A_31 = tpu.memref_slice %arg8[%dma_start3A_30] : memref<32768xf32, #tpu.memory_space<vmem>> -> memref<4096xf32, #tpu.memory_space<vmem>>
    %dma_start3A_32 = tpu.memref_slice %arg4[%add3A_29] : memref<134217728xf32, #tpu.memory_space<hbm>> -> memref<4096xf32, #tpu.memory_space<hbm>>
    %dma_start3A_33 = tpu.memref_slice %arg4[%add3A_29] : memref<134217728xf32, #tpu.memory_space<hbm>> -> memref<4096xf32, #tpu.memory_space<hbm>>
    %dma_start3A_34 = arith.constant 4096 : i32
    %dma_start3A_35 = tpu.memref_slice %arg8[%dma_start3A_34] : memref<32768xf32, #tpu.memory_space<vmem>> -> memref<4096xf32, #tpu.memory_space<vmem>>
    tpu.enqueue_dma source(%dma_start3A_35 : memref<4096xf32, #tpu.memory_space<vmem>>) target(%dma_start3A_33 : memref<4096xf32, #tpu.memory_space<hbm>>) target_semaphore(%arg12 : memref<!tpu.dma_semaphore, #tpu.memory_space<semaphore_mem>>)
    %mul3A_36 = arith.constant 128 : i32
    %mul3A_37 = arith.muli %mul3A_2, %mul3A_36 : i32
    %add3A_38 = arith.constant 262144 : i32
    %add3A_39 = arith.addi %add3A_38, %mul3A_37 : i32
    %dma_start3A_40 = arith.constant 8192 : i32
    %dma_start3A_41 = tpu.memref_slice %arg8[%dma_start3A_40] : memref<32768xf32, #tpu.memory_space<vmem>> -> memref<4096xf32, #tpu.memory_space<vmem>>
    %dma_start3A_42 = tpu.memref_slice %arg4[%add3A_39] : memref<134217728xf32, #tpu.memory_space<hbm>> -> memref<4096xf32, #tpu.memory_space<hbm>>
    %dma_start3A_43 = tpu.memref_slice %arg4[%add3A_39] : memref<134217728xf32, #tpu.memory_space<hbm>> -> memref<4096xf32, #tpu.memory_space<hbm>>
    %dma_start3A_44 = arith.constant 8192 : i32
    %dma_start3A_45 = tpu.memref_slice %arg8[%dma_start3A_44] : memref<32768xf32, #tpu.memory_space<vmem>> -> memref<4096xf32, #tpu.memory_space<vmem>>
    tpu.enqueue_dma source(%dma_start3A_45 : memref<4096xf32, #tpu.memory_space<vmem>>) target(%dma_start3A_43 : memref<4096xf32, #tpu.memory_space<hbm>>) target_semaphore(%arg12 : memref<!tpu.dma_semaphore, #tpu.memory_space<semaphore_mem>>)
    %mul3A_46 = arith.constant 128 : i32
    %mul3A_47 = arith.muli %mul3A_2, %mul3A_46 : i32
    %add3A_48 = arith.constant 393216 : i32
    %add3A_49 = arith.addi %add3A_48, %mul3A_47 : i32
    %dma_start3A_50 = arith.constant 12288 : i32
    %dma_start3A_51 = tpu.memref_slice %arg8[%dma_start3A_50] : memref<32768xf32, #tpu.memory_space<vmem>> -> memref<4096xf32, #tpu.memory_space<vmem>>
    %dma_start3A_52 = tpu.memref_slice %arg4[%add3A_49] : memref<134217728xf32, #tpu.memory_space<hbm>> -> memref<4096xf32, #tpu.memory_space<hbm>>
    %dma_start3A_53 = tpu.memref_slice %arg4[%add3A_49] : memref<134217728xf32, #tpu.memory_space<hbm>> -> memref<4096xf32, #tpu.memory_space<hbm>>
    %dma_start3A_54 = arith.constant 12288 : i32
    %dma_start3A_55 = tpu.memref_slice %arg8[%dma_start3A_54] : memref<32768xf32, #tpu.memory_space<vmem>> -> memref<4096xf32, #tpu.memory_space<vmem>>
    tpu.enqueue_dma source(%dma_start3A_55 : memref<4096xf32, #tpu.memory_space<vmem>>) target(%dma_start3A_53 : memref<4096xf32, #tpu.memory_space<hbm>>) target_semaphore(%arg12 : memref<!tpu.dma_semaphore, #tpu.memory_space<semaphore_mem>>)
    %mul3A_56 = arith.constant 128 : i32
    %mul3A_57 = arith.muli %mul3A_2, %mul3A_56 : i32
    %add3A_58 = arith.constant 524288 : i32
    %add3A_59 = arith.addi %add3A_58, %mul3A_57 : i32
    %dma_start3A_60 = arith.constant 16384 : i32
    %dma_start3A_61 = tpu.memref_slice %arg8[%dma_start3A_60] : memref<32768xf32, #tpu.memory_space<vmem>> -> memref<4096xf32, #tpu.memory_space<vmem>>
    %dma_start3A_62 = tpu.memref_slice %arg4[%add3A_59] : memref<134217728xf32, #tpu.memory_space<hbm>> -> memref<4096xf32, #tpu.memory_space<hbm>>
    %dma_start3A_63 = tpu.memref_slice %arg4[%add3A_59] : memref<134217728xf32, #tpu.memory_space<hbm>> -> memref<4096xf32, #tpu.memory_space<hbm>>
    %dma_start3A_64 = arith.constant 16384 : i32
    %dma_start3A_65 = tpu.memref_slice %arg8[%dma_start3A_64] : memref<32768xf32, #tpu.memory_space<vmem>> -> memref<4096xf32, #tpu.memory_space<vmem>>
    tpu.enqueue_dma source(%dma_start3A_65 : memref<4096xf32, #tpu.memory_space<vmem>>) target(%dma_start3A_63 : memref<4096xf32, #tpu.memory_space<hbm>>) target_semaphore(%arg12 : memref<!tpu.dma_semaphore, #tpu.memory_space<semaphore_mem>>)
    %mul3A_66 = arith.constant 128 : i32
    %mul3A_67 = arith.muli %mul3A_2, %mul3A_66 : i32
    %add3A_68 = arith.constant 655360 : i32
    %add3A_69 = arith.addi %add3A_68, %mul3A_67 : i32
    %dma_start3A_70 = arith.constant 20480 : i32
    %dma_start3A_71 = tpu.memref_slice %arg8[%dma_start3A_70] : memref<32768xf32, #tpu.memory_space<vmem>> -> memref<4096xf32, #tpu.memory_space<vmem>>
    %dma_start3A_72 = tpu.memref_slice %arg4[%add3A_69] : memref<134217728xf32, #tpu.memory_space<hbm>> -> memref<4096xf32, #tpu.memory_space<hbm>>
    %dma_start3A_73 = tpu.memref_slice %arg4[%add3A_69] : memref<134217728xf32, #tpu.memory_space<hbm>> -> memref<4096xf32, #tpu.memory_space<hbm>>
    %dma_start3A_74 = arith.constant 20480 : i32
    %dma_start3A_75 = tpu.memref_slice %arg8[%dma_start3A_74] : memref<32768xf32, #tpu.memory_space<vmem>> -> memref<4096xf32, #tpu.memory_space<vmem>>
    tpu.enqueue_dma source(%dma_start3A_75 : memref<4096xf32, #tpu.memory_space<vmem>>) target(%dma_start3A_73 : memref<4096xf32, #tpu.memory_space<hbm>>) target_semaphore(%arg12 : memref<!tpu.dma_semaphore, #tpu.memory_space<semaphore_mem>>)
    %mul3A_76 = arith.constant 128 : i32
    %mul3A_77 = arith.muli %mul3A_2, %mul3A_76 : i32
    %add3A_78 = arith.constant 786432 : i32
    %add3A_79 = arith.addi %add3A_78, %mul3A_77 : i32
    %dma_start3A_80 = arith.constant 24576 : i32
    %dma_start3A_81 = tpu.memref_slice %arg8[%dma_start3A_80] : memref<32768xf32, #tpu.memory_space<vmem>> -> memref<4096xf32, #tpu.memory_space<vmem>>
    %dma_start3A_82 = tpu.memref_slice %arg4[%add3A_79] : memref<134217728xf32, #tpu.memory_space<hbm>> -> memref<4096xf32, #tpu.memory_space<hbm>>
    %dma_start3A_83 = tpu.memref_slice %arg4[%add3A_79] : memref<134217728xf32, #tpu.memory_space<hbm>> -> memref<4096xf32, #tpu.memory_space<hbm>>
    %dma_start3A_84 = arith.constant 24576 : i32
    %dma_start3A_85 = tpu.memref_slice %arg8[%dma_start3A_84] : memref<32768xf32, #tpu.memory_space<vmem>> -> memref<4096xf32, #tpu.memory_space<vmem>>
    tpu.enqueue_dma source(%dma_start3A_85 : memref<4096xf32, #tpu.memory_space<vmem>>) target(%dma_start3A_83 : memref<4096xf32, #tpu.memory_space<hbm>>) target_semaphore(%arg12 : memref<!tpu.dma_semaphore, #tpu.memory_space<semaphore_mem>>)
    %mul3A_86 = arith.constant 128 : i32
    %mul3A_87 = arith.muli %mul3A_2, %mul3A_86 : i32
    %add3A_88 = arith.constant 917504 : i32
    %add3A_89 = arith.addi %add3A_88, %mul3A_87 : i32
    %dma_start3A_90 = arith.constant 28672 : i32
    %dma_start3A_91 = tpu.memref_slice %arg8[%dma_start3A_90] : memref<32768xf32, #tpu.memory_space<vmem>> -> memref<4096xf32, #tpu.memory_space<vmem>>
    %dma_start3A_92 = tpu.memref_slice %arg4[%add3A_89] : memref<134217728xf32, #tpu.memory_space<hbm>> -> memref<4096xf32, #tpu.memory_space<hbm>>
    %dma_start3A_93 = tpu.memref_slice %arg4[%add3A_89] : memref<134217728xf32, #tpu.memory_space<hbm>> -> memref<4096xf32, #tpu.memory_space<hbm>>
    %dma_start3A_94 = arith.constant 28672 : i32
    %dma_start3A_95 = tpu.memref_slice %arg8[%dma_start3A_94] : memref<32768xf32, #tpu.memory_space<vmem>> -> memref<4096xf32, #tpu.memory_space<vmem>>
    tpu.enqueue_dma source(%dma_start3A_95 : memref<4096xf32, #tpu.memory_space<vmem>>) target(%dma_start3A_93 : memref<4096xf32, #tpu.memory_space<hbm>>) target_semaphore(%arg12 : memref<!tpu.dma_semaphore, #tpu.memory_space<semaphore_mem>>)
    %add3A_96 = arith.constant 1001 : i32
    %add3A_97 = arith.addi %add3A_96, %mul3A_2 : i32
    %mul3A_98 = arith.constant 128 : i32
    %mul3A_99 = arith.muli %add3A_97, %mul3A_98 : i32
    %dma_start3A_100 = tpu.memref_slice %arg3[%mul3A_99] : memref<263168xf32, #tpu.memory_space<hbm>> -> memref<4992xf32, #tpu.memory_space<hbm>>
    %dma_start3A_101 = tpu.memref_slice %arg3[%mul3A_99] : memref<263168xf32, #tpu.memory_space<hbm>> -> memref<4992xf32, #tpu.memory_space<hbm>>
    tpu.enqueue_dma source(%dma_start3A_101 : memref<4992xf32, #tpu.memory_space<hbm>>) target(%arg6 : memref<4992xf32, #tpu.memory_space<vmem>>) target_semaphore(%arg10 : memref<!tpu.dma_semaphore, #tpu.memory_space<semaphore_mem>>)
    %add3A_102 = arith.constant 1009 : i32
    %add3A_103 = arith.addi %add3A_102, %mul3A_2 : i32
    %mul3A_104 = arith.constant 128 : i32
    %mul3A_105 = arith.muli %add3A_103, %mul3A_104 : i32
    %dma_wait3A = tpu.memref_slice %arg3[%mul3A_105] : memref<263168xf32, #tpu.memory_space<hbm>> -> memref<4992xf32, #tpu.memory_space<hbm>>
    %dma_wait3A_106 = tpu.memref_slice %arg3[%mul3A_105] : memref<263168xf32, #tpu.memory_space<hbm>> -> memref<4992xf32, #tpu.memory_space<hbm>>
    tpu.wait_dma2 semaphore(%arg11 : memref<!tpu.dma_semaphore, #tpu.memory_space<semaphore_mem>>) src(%dma_wait3A_106 : memref<4992xf32, #tpu.memory_space<hbm>>) dst(%arg7 : memref<4992xf32, #tpu.memory_space<vmem>>)
    %parallel_loop3A_107 = arith.constant 0 : i32
    %parallel_loop3A_108 = arith.constant 4096 : i32
    %parallel_loop3A_109 = arith.constant 16 : i32
    scf.for %parallel_loop3A_209 = %parallel_loop3A_107 to %parallel_loop3A_108 step %parallel_loop3A_109  : i32 {
      %parallel_loop3A_210 = arith.index_cast %parallel_loop3A_209 : i32 to index
      %parallel_loop3A_211 = tpu.vector_load %arg5[%parallel_loop3A_210] {strides = array<i32>} : memref<4096xf32, #tpu.memory_space<vmem>>, vector<16xf32>,
      %parallel_loop3A_212 = vector.shape_cast %parallel_loop3A_211 : vector<16xf32> to vector<16xf32>
      %parallel_loop3A_213 = arith.constant 896 : i32
      %parallel_loop3A_214 = arith.addi %parallel_loop3A_213, %parallel_loop3A_209 : i32
      %parallel_loop3A_215 = arith.index_cast %parallel_loop3A_214 : i32 to index
      %parallel_loop3A_216 = tpu.vector_load %arg7[%parallel_loop3A_215] {strides = array<i32>} : memref<4992xf32, #tpu.memory_space<vmem>>, vector<16xf32>,
      %parallel_loop3A_217 = vector.shape_cast %parallel_loop3A_216 : vector<16xf32> to vector<16xf32>
      %parallel_loop3A_218 = arith.addf %parallel_loop3A_212, %parallel_loop3A_217 : vector<16xf32>
      %parallel_loop3A_219 = arith.constant 0 : i32
      %parallel_loop3A_220 = arith.addi %parallel_loop3A_219, %parallel_loop3A_209 : i32
      %parallel_loop3A_221 = arith.index_cast %parallel_loop3A_220 : i32 to index
      %parallel_loop3A_222 = tpu.vector_load %arg9[%parallel_loop3A_221] {strides = array<i32>} : memref<32768xf32, #tpu.memory_space<vmem>>, vector<16xf32>,
      %parallel_loop3A_223 = vector.shape_cast %parallel_loop3A_222 : vector<16xf32> to vector<16xf32>
      %parallel_loop3A_224 = vector.shape_cast %parallel_loop3A_218 : vector<16xf32> to vector<16xf32>
      tpu.vector_store %arg9[%parallel_loop3A_221], %parallel_loop3A_224 {strides = array<i32>} : memref<32768xf32, #tpu.memory_space<vmem>>, vector<16xf32>,
      %parallel_loop3A_225 = arith.constant 768 : i32
      %parallel_loop3A_226 = arith.addi %parallel_loop3A_225, %parallel_loop3A_209 : i32
      %parallel_loop3A_227 = arith.index_cast %parallel_loop3A_226 : i32 to index
      %parallel_loop3A_228 = tpu.vector_load %arg7[%parallel_loop3A_227] {strides = array<i32>} : memref<4992xf32, #tpu.memory_space<vmem>>, vector<16xf32>,
      %parallel_loop3A_229 = vector.shape_cast %parallel_loop3A_228 : vector<16xf32> to vector<16xf32>
      %parallel_loop3A_230 = arith.addf %parallel_loop3A_212, %parallel_loop3A_229 : vector<16xf32>
      %parallel_loop3A_231 = arith.constant 4096 : i32
      %parallel_loop3A_232 = arith.addi %parallel_loop3A_231, %parallel_loop3A_209 : i32
      %parallel_loop3A_233 = arith.index_cast %parallel_loop3A_232 : i32 to index
      %parallel_loop3A_234 = tpu.vector_load %arg9[%parallel_loop3A_233] {strides = array<i32>} : memref<32768xf32, #tpu.memory_space<vmem>>, vector<16xf32>,
      %parallel_loop3A_235 = vector.shape_cast %parallel_loop3A_234 : vector<16xf32> to vector<16xf32>
      %parallel_loop3A_236 = vector.shape_cast %parallel_loop3A_230 : vector<16xf32> to vector<16xf32>
      tpu.vector_store %arg9[%parallel_loop3A_233], %parallel_loop3A_236 {strides = array<i32>} : memref<32768xf32, #tpu.memory_space<vmem>>, vector<16xf32>,
      %parallel_loop3A_237 = arith.constant 640 : i32
      %parallel_loop3A_238 = arith.addi %parallel_loop3A_237, %parallel_loop3A_209 : i32
      %parallel_loop3A_239 = arith.index_cast %parallel_loop3A_238 : i32 to index
      %parallel_loop3A_240 = tpu.vector_load %arg7[%parallel_loop3A_239] {strides = array<i32>} : memref<4992xf32, #tpu.memory_space<vmem>>, vector<16xf32>,
      %parallel_loop3A_241 = vector.shape_cast %parallel_loop3A_240 : vector<16xf32> to vector<16xf32>
      %parallel_loop3A_242 = arith.addf %parallel_loop3A_212, %parallel_loop3A_241 : vector<16xf32>
      %parallel_loop3A_243 = arith.constant 8192 : i32
      %parallel_loop3A_244 = arith.addi %parallel_loop3A_243, %parallel_loop3A_209 : i32
      %parallel_loop3A_245 = arith.index_cast %parallel_loop3A_244 : i32 to index
      %parallel_loop3A_246 = tpu.vector_load %arg9[%parallel_loop3A_245] {strides = array<i32>} : memref<32768xf32, #tpu.memory_space<vmem>>, vector<16xf32>,
      %parallel_loop3A_247 = vector.shape_cast %parallel_loop3A_246 : vector<16xf32> to vector<16xf32>
      %parallel_loop3A_248 = vector.shape_cast %parallel_loop3A_242 : vector<16xf32> to vector<16xf32>
      tpu.vector_store %arg9[%parallel_loop3A_245], %parallel_loop3A_248 {strides = array<i32>} : memref<32768xf32, #tpu.memory_space<vmem>>, vector<16xf32>,
      %parallel_loop3A_249 = arith.constant 512 : i32
      %parallel_loop3A_250 = arith.addi %parallel_loop3A_249, %parallel_loop3A_209 : i32
      %parallel_loop3A_251 = arith.index_cast %parallel_loop3A_250 : i32 to index
      %parallel_loop3A_252 = tpu.vector_load %arg7[%parallel_loop3A_251] {strides = array<i32>} : memref<4992xf32, #tpu.memory_space<vmem>>, vector<16xf32>,
      %parallel_loop3A_253 = vector.shape_cast %parallel_loop3A_252 : vector<16xf32> to vector<16xf32>
      %parallel_loop3A_254 = arith.addf %parallel_loop3A_212, %parallel_loop3A_253 : vector<16xf32>
      %parallel_loop3A_255 = arith.constant 12288 : i32
      %parallel_loop3A_256 = arith.addi %parallel_loop3A_255, %parallel_loop3A_209 : i32
      %parallel_loop3A_257 = arith.index_cast %parallel_loop3A_256 : i32 to index
      %parallel_loop3A_258 = tpu.vector_load %arg9[%parallel_loop3A_257] {strides = array<i32>} : memref<32768xf32, #tpu.memory_space<vmem>>, vector<16xf32>,
      %parallel_loop3A_259 = vector.shape_cast %parallel_loop3A_258 : vector<16xf32> to vector<16xf32>
      %parallel_loop3A_260 = vector.shape_cast %parallel_loop3A_254 : vector<16xf32> to vector<16xf32>
      tpu.vector_store %arg9[%parallel_loop3A_257], %parallel_loop3A_260 {strides = array<i32>} : memref<32768xf32, #tpu.memory_space<vmem>>, vector<16xf32>,
      %parallel_loop3A_261 = arith.constant 384 : i32
      %parallel_loop3A_262 = arith.addi %parallel_loop3A_261, %parallel_loop3A_209 : i32
      %parallel_loop3A_263 = arith.index_cast %parallel_loop3A_262 : i32 to index
      %parallel_loop3A_264 = tpu.vector_load %arg7[%parallel_loop3A_263] {strides = array<i32>} : memref<4992xf32, #tpu.memory_space<vmem>>, vector<16xf32>,
      %parallel_loop3A_265 = vector.shape_cast %parallel_loop3A_264 : vector<16xf32> to vector<16xf32>
      %parallel_loop3A_266 = arith.addf %parallel_loop3A_212, %parallel_loop3A_265 : vector<16xf32>
      %parallel_loop3A_267 = arith.constant 16384 : i32
      %parallel_loop3A_268 = arith.addi %parallel_loop3A_267, %parallel_loop3A_209 : i32
      %parallel_loop3A_269 = arith.index_cast %parallel_loop3A_268 : i32 to index
      %parallel_loop3A_270 = tpu.vector_load %arg9[%parallel_loop3A_269] {strides = array<i32>} : memref<32768xf32, #tpu.memory_space<vmem>>, vector<16xf32>,
      %parallel_loop3A_271 = vector.shape_cast %parallel_loop3A_270 : vector<16xf32> to vector<16xf32>
      %parallel_loop3A_272 = vector.shape_cast %parallel_loop3A_266 : vector<16xf32> to vector<16xf32>
      tpu.vector_store %arg9[%parallel_loop3A_269], %parallel_loop3A_272 {strides = array<i32>} : memref<32768xf32, #tpu.memory_space<vmem>>, vector<16xf32>,
      %parallel_loop3A_273 = arith.constant 256 : i32
      %parallel_loop3A_274 = arith.addi %parallel_loop3A_273, %parallel_loop3A_209 : i32
      %parallel_loop3A_275 = arith.index_cast %parallel_loop3A_274 : i32 to index
      %parallel_loop3A_276 = tpu.vector_load %arg7[%parallel_loop3A_275] {strides = array<i32>} : memref<4992xf32, #tpu.memory_space<vmem>>, vector<16xf32>,
      %parallel_loop3A_277 = vector.shape_cast %parallel_loop3A_276 : vector<16xf32> to vector<16xf32>
      %parallel_loop3A_278 = arith.addf %parallel_loop3A_212, %parallel_loop3A_277 : vector<16xf32>
      %parallel_loop3A_279 = arith.constant 20480 : i32
      %parallel_loop3A_280 = arith.addi %parallel_loop3A_279, %parallel_loop3A_209 : i32
      %parallel_loop3A_281 = arith.index_cast %parallel_loop3A_280 : i32 to index
      %parallel_loop3A_282 = tpu.vector_load %arg9[%parallel_loop3A_281] {strides = array<i32>} : memref<32768xf32, #tpu.memory_space<vmem>>, vector<16xf32>,
      %parallel_loop3A_283 = vector.shape_cast %parallel_loop3A_282 : vector<16xf32> to vector<16xf32>
      %parallel_loop3A_284 = vector.shape_cast %parallel_loop3A_278 : vector<16xf32> to vector<16xf32>
      tpu.vector_store %arg9[%parallel_loop3A_281], %parallel_loop3A_284 {strides = array<i32>} : memref<32768xf32, #tpu.memory_space<vmem>>, vector<16xf32>,
      %parallel_loop3A_285 = arith.constant 128 : i32
      %parallel_loop3A_286 = arith.addi %parallel_loop3A_285, %parallel_loop3A_209 : i32
      %parallel_loop3A_287 = arith.index_cast %parallel_loop3A_286 : i32 to index
      %parallel_loop3A_288 = tpu.vector_load %arg7[%parallel_loop3A_287] {strides = array<i32>} : memref<4992xf32, #tpu.memory_space<vmem>>, vector<16xf32>,
      %parallel_loop3A_289 = vector.shape_cast %parallel_loop3A_288 : vector<16xf32> to vector<16xf32>
      %parallel_loop3A_290 = arith.addf %parallel_loop3A_212, %parallel_loop3A_289 : vector<16xf32>
      %parallel_loop3A_291 = arith.constant 24576 : i32
      %parallel_loop3A_292 = arith.addi %parallel_loop3A_291, %parallel_loop3A_209 : i32
      %parallel_loop3A_293 = arith.index_cast %parallel_loop3A_292 : i32 to index
      %parallel_loop3A_294 = tpu.vector_load %arg9[%parallel_loop3A_293] {strides = array<i32>} : memref<32768xf32, #tpu.memory_space<vmem>>, vector<16xf32>,
      %parallel_loop3A_295 = vector.shape_cast %parallel_loop3A_294 : vector<16xf32> to vector<16xf32>
      %parallel_loop3A_296 = vector.shape_cast %parallel_loop3A_290 : vector<16xf32> to vector<16xf32>
      tpu.vector_store %arg9[%parallel_loop3A_293], %parallel_loop3A_296 {strides = array<i32>} : memref<32768xf32, #tpu.memory_space<vmem>>, vector<16xf32>,
      %parallel_loop3A_297 = arith.constant 0 : i32
      %parallel_loop3A_298 = arith.addi %parallel_loop3A_297, %parallel_loop3A_209 : i32
      %parallel_loop3A_299 = arith.index_cast %parallel_loop3A_298 : i32 to index
      %parallel_loop3A_300 = tpu.vector_load %arg7[%parallel_loop3A_299] {strides = array<i32>} : memref<4992xf32, #tpu.memory_space<vmem>>, vector<16xf32>,
      %parallel_loop3A_301 = vector.shape_cast %parallel_loop3A_300 : vector<16xf32> to vector<16xf32>
      %parallel_loop3A_302 = arith.addf %parallel_loop3A_212, %parallel_loop3A_301 : vector<16xf32>
      %parallel_loop3A_303 = arith.constant 28672 : i32
      %parallel_loop3A_304 = arith.addi %parallel_loop3A_303, %parallel_loop3A_209 : i32
      %parallel_loop3A_305 = arith.index_cast %parallel_loop3A_304 : i32 to index
      %parallel_loop3A_306 = tpu.vector_load %arg9[%parallel_loop3A_305] {strides = array<i32>} : memref<32768xf32, #tpu.memory_space<vmem>>, vector<16xf32>,
      %parallel_loop3A_307 = vector.shape_cast %parallel_loop3A_306 : vector<16xf32> to vector<16xf32>
      %parallel_loop3A_308 = vector.shape_cast %parallel_loop3A_302 : vector<16xf32> to vector<16xf32>
      tpu.vector_store %arg9[%parallel_loop3A_305], %parallel_loop3A_308 {strides = array<i32>} : memref<32768xf32, #tpu.memory_space<vmem>>, vector<16xf32>,
    } {sc.loop_unroll_factor = 2 : i64, sc.parallel_access}
    %mul3A_110 = arith.constant 128 : i32
    %mul3A_111 = arith.muli %mul3A_2, %mul3A_110 : i32
    %add3A_112 = arith.constant 1048576 : i32
    %add3A_113 = arith.addi %add3A_112, %mul3A_111 : i32
    %dma_start3A_114 = arith.constant 0 : i32
    %dma_start3A_115 = tpu.memref_slice %arg9[%dma_start3A_114] : memref<32768xf32, #tpu.memory_space<vmem>> -> memref<4096xf32, #tpu.memory_space<vmem>>
    %dma_start3A_116 = tpu.memref_slice %arg4[%add3A_113] : memref<134217728xf32, #tpu.memory_space<hbm>> -> memref<4096xf32, #tpu.memory_space<hbm>>
    %dma_start3A_117 = tpu.memref_slice %arg4[%add3A_113] : memref<134217728xf32, #tpu.memory_space<hbm>> -> memref<4096xf32, #tpu.memory_space<hbm>>
    %dma_start3A_118 = arith.constant 0 : i32
    %dma_start3A_119 = tpu.memref_slice %arg9[%dma_start3A_118] : memref<32768xf32, #tpu.memory_space<vmem>> -> memref<4096xf32, #tpu.memory_space<vmem>>
    tpu.enqueue_dma source(%dma_start3A_119 : memref<4096xf32, #tpu.memory_space<vmem>>) target(%dma_start3A_117 : memref<4096xf32, #tpu.memory_space<hbm>>) target_semaphore(%arg13 : memref<!tpu.dma_semaphore, #tpu.memory_space<semaphore_mem>>)
    %mul3A_120 = arith.constant 128 : i32
    %mul3A_121 = arith.muli %mul3A_2, %mul3A_120 : i32
    %add3A_122 = arith.constant 1179648 : i32
    %add3A_123 = arith.addi %add3A_122, %mul3A_121 : i32
    %dma_start3A_124 = arith.constant 4096 : i32
    %dma_start3A_125 = tpu.memref_slice %arg9[%dma_start3A_124] : memref<32768xf32, #tpu.memory_space<vmem>> -> memref<4096xf32, #tpu.memory_space<vmem>>
    %dma_start3A_126 = tpu.memref_slice %arg4[%add3A_123] : memref<134217728xf32, #tpu.memory_space<hbm>> -> memref<4096xf32, #tpu.memory_space<hbm>>
    %dma_start3A_127 = tpu.memref_slice %arg4[%add3A_123] : memref<134217728xf32, #tpu.memory_space<hbm>> -> memref<4096xf32, #tpu.memory_space<hbm>>
    %dma_start3A_128 = arith.constant 4096 : i32
    %dma_start3A_129 = tpu.memref_slice %arg9[%dma_start3A_128] : memref<32768xf32, #tpu.memory_space<vmem>> -> memref<4096xf32, #tpu.memory_space<vmem>>
    tpu.enqueue_dma source(%dma_start3A_129 : memref<4096xf32, #tpu.memory_space<vmem>>) target(%dma_start3A_127 : memref<4096xf32, #tpu.memory_space<hbm>>) target_semaphore(%arg13 : memref<!tpu.dma_semaphore, #tpu.memory_space<semaphore_mem>>)
    %mul3A_130 = arith.constant 128 : i32
    %mul3A_131 = arith.muli %mul3A_2, %mul3A_130 : i32
    %add3A_132 = arith.constant 1310720 : i32
    %add3A_133 = arith.addi %add3A_132, %mul3A_131 : i32
    %dma_start3A_134 = arith.constant 8192 : i32
    %dma_start3A_135 = tpu.memref_slice %arg9[%dma_start3A_134] : memref<32768xf32, #tpu.memory_space<vmem>> -> memref<4096xf32, #tpu.memory_space<vmem>>
    %dma_start3A_136 = tpu.memref_slice %arg4[%add3A_133] : memref<134217728xf32, #tpu.memory_space<hbm>> -> memref<4096xf32, #tpu.memory_space<hbm>>
    %dma_start3A_137 = tpu.memref_slice %arg4[%add3A_133] : memref<134217728xf32, #tpu.memory_space<hbm>> -> memref<4096xf32, #tpu.memory_space<hbm>>
    %dma_start3A_138 = arith.constant 8192 : i32
    %dma_start3A_139 = tpu.memref_slice %arg9[%dma_start3A_138] : memref<32768xf32, #tpu.memory_space<vmem>> -> memref<4096xf32, #tpu.memory_space<vmem>>
    tpu.enqueue_dma source(%dma_start3A_139 : memref<4096xf32, #tpu.memory_space<vmem>>) target(%dma_start3A_137 : memref<4096xf32, #tpu.memory_space<hbm>>) target_semaphore(%arg13 : memref<!tpu.dma_semaphore, #tpu.memory_space<semaphore_mem>>)
    %mul3A_140 = arith.constant 128 : i32
    %mul3A_141 = arith.muli %mul3A_2, %mul3A_140 : i32
    %add3A_142 = arith.constant 1441792 : i32
    %add3A_143 = arith.addi %add3A_142, %mul3A_141 : i32
    %dma_start3A_144 = arith.constant 12288 : i32
    %dma_start3A_145 = tpu.memref_slice %arg9[%dma_start3A_144] : memref<32768xf32, #tpu.memory_space<vmem>> -> memref<4096xf32, #tpu.memory_space<vmem>>
    %dma_start3A_146 = tpu.memref_slice %arg4[%add3A_143] : memref<134217728xf32, #tpu.memory_space<hbm>> -> memref<4096xf32, #tpu.memory_space<hbm>>
    %dma_start3A_147 = tpu.memref_slice %arg4[%add3A_143] : memref<134217728xf32, #tpu.memory_space<hbm>> -> memref<4096xf32, #tpu.memory_space<hbm>>
    %dma_start3A_148 = arith.constant 12288 : i32
    %dma_start3A_149 = tpu.memref_slice %arg9[%dma_start3A_148] : memref<32768xf32, #tpu.memory_space<vmem>> -> memref<4096xf32, #tpu.memory_space<vmem>>
    tpu.enqueue_dma source(%dma_start3A_149 : memref<4096xf32, #tpu.memory_space<vmem>>) target(%dma_start3A_147 : memref<4096xf32, #tpu.memory_space<hbm>>) target_semaphore(%arg13 : memref<!tpu.dma_semaphore, #tpu.memory_space<semaphore_mem>>)
    %mul3A_150 = arith.constant 128 : i32
    %mul3A_151 = arith.muli %mul3A_2, %mul3A_150 : i32
    %add3A_152 = arith.constant 1572864 : i32
    %add3A_153 = arith.addi %add3A_152, %mul3A_151 : i32
    %dma_start3A_154 = arith.constant 16384 : i32
    %dma_start3A_155 = tpu.memref_slice %arg9[%dma_start3A_154] : memref<32768xf32, #tpu.memory_space<vmem>> -> memref<4096xf32, #tpu.memory_space<vmem>>
    %dma_start3A_156 = tpu.memref_slice %arg4[%add3A_153] : memref<134217728xf32, #tpu.memory_space<hbm>> -> memref<4096xf32, #tpu.memory_space<hbm>>
    %dma_start3A_157 = tpu.memref_slice %arg4[%add3A_153] : memref<134217728xf32, #tpu.memory_space<hbm>> -> memref<4096xf32, #tpu.memory_space<hbm>>
    %dma_start3A_158 = arith.constant 16384 : i32
    %dma_start3A_159 = tpu.memref_slice %arg9[%dma_start3A_158] : memref<32768xf32, #tpu.memory_space<vmem>> -> memref<4096xf32, #tpu.memory_space<vmem>>
    tpu.enqueue_dma source(%dma_start3A_159 : memref<4096xf32, #tpu.memory_space<vmem>>) target(%dma_start3A_157 : memref<4096xf32, #tpu.memory_space<hbm>>) target_semaphore(%arg13 : memref<!tpu.dma_semaphore, #tpu.memory_space<semaphore_mem>>)
    %mul3A_160 = arith.constant 128 : i32
    %mul3A_161 = arith.muli %mul3A_2, %mul3A_160 : i32
    %add3A_162 = arith.constant 1703936 : i32
    %add3A_163 = arith.addi %add3A_162, %mul3A_161 : i32
    %dma_start3A_164 = arith.constant 20480 : i32
    %dma_start3A_165 = tpu.memref_slice %arg9[%dma_start3A_164] : memref<32768xf32, #tpu.memory_space<vmem>> -> memref<4096xf32, #tpu.memory_space<vmem>>
    %dma_start3A_166 = tpu.memref_slice %arg4[%add3A_163] : memref<134217728xf32, #tpu.memory_space<hbm>> -> memref<4096xf32, #tpu.memory_space<hbm>>
    %dma_start3A_167 = tpu.memref_slice %arg4[%add3A_163] : memref<134217728xf32, #tpu.memory_space<hbm>> -> memref<4096xf32, #tpu.memory_space<hbm>>
    %dma_start3A_168 = arith.constant 20480 : i32
    %dma_start3A_169 = tpu.memref_slice %arg9[%dma_start3A_168] : memref<32768xf32, #tpu.memory_space<vmem>> -> memref<4096xf32, #tpu.memory_space<vmem>>
    tpu.enqueue_dma source(%dma_start3A_169 : memref<4096xf32, #tpu.memory_space<vmem>>) target(%dma_start3A_167 : memref<4096xf32, #tpu.memory_space<hbm>>) target_semaphore(%arg13 : memref<!tpu.dma_semaphore, #tpu.memory_space<semaphore_mem>>)
    %mul3A_170 = arith.constant 128 : i32
    %mul3A_171 = arith.muli %mul3A_2, %mul3A_170 : i32
    %add3A_172 = arith.constant 1835008 : i32
    %add3A_173 = arith.addi %add3A_172, %mul3A_171 : i32
    %dma_start3A_174 = arith.constant 24576 : i32
    %dma_start3A_175 = tpu.memref_slice %arg9[%dma_start3A_174] : memref<32768xf32, #tpu.memory_space<vmem>> -> memref<4096xf32, #tpu.memory_space<vmem>>
    %dma_start3A_176 = tpu.memref_slice %arg4[%add3A_173] : memref<134217728xf32, #tpu.memory_space<hbm>> -> memref<4096xf32, #tpu.memory_space<hbm>>
    %dma_start3A_177 = tpu.memref_slice %arg4[%add3A_173] : memref<134217728xf32, #tpu.memory_space<hbm>> -> memref<4096xf32, #tpu.memory_space<hbm>>
    %dma_start3A_178 = arith.constant 24576 : i32
    %dma_start3A_179 = tpu.memref_slice %arg9[%dma_start3A_178] : memref<32768xf32, #tpu.memory_space<vmem>> -> memref<4096xf32, #tpu.memory_space<vmem>>
    tpu.enqueue_dma source(%dma_start3A_179 : memref<4096xf32, #tpu.memory_space<vmem>>) target(%dma_start3A_177 : memref<4096xf32, #tpu.memory_space<hbm>>) target_semaphore(%arg13 : memref<!tpu.dma_semaphore, #tpu.memory_space<semaphore_mem>>)
    %mul3A_180 = arith.constant 128 : i32
    %mul3A_181 = arith.muli %mul3A_2, %mul3A_180 : i32
    %add3A_182 = arith.constant 1966080 : i32
    %add3A_183 = arith.addi %add3A_182, %mul3A_181 : i32
    %dma_start3A_184 = arith.constant 28672 : i32
    %dma_start3A_185 = tpu.memref_slice %arg9[%dma_start3A_184] : memref<32768xf32, #tpu.memory_space<vmem>> -> memref<4096xf32, #tpu.memory_space<vmem>>
    %dma_start3A_186 = tpu.memref_slice %arg4[%add3A_183] : memref<134217728xf32, #tpu.memory_space<hbm>> -> memref<4096xf32, #tpu.memory_space<hbm>>
    %dma_start3A_187 = tpu.memref_slice %arg4[%add3A_183] : memref<134217728xf32, #tpu.memory_space<hbm>> -> memref<4096xf32, #tpu.memory_space<hbm>>
    %dma_start3A_188 = arith.constant 28672 : i32
    %dma_start3A_189 = tpu.memref_slice %arg9[%dma_start3A_188] : memref<32768xf32, #tpu.memory_space<vmem>> -> memref<4096xf32, #tpu.memory_space<vmem>>
    tpu.enqueue_dma source(%dma_start3A_189 : memref<4096xf32, #tpu.memory_space<vmem>>) target(%dma_start3A_187 : memref<4096xf32, #tpu.memory_space<hbm>>) target_semaphore(%arg13 : memref<!tpu.dma_semaphore, #tpu.memory_space<semaphore_mem>>)
    %scan3A = arith.constant 0 : i32
    %scan3A_190 = arith.constant 1 : i32
    %scan3A_191 = arith.constant 63 : i32
    %scan3A_192 = arith.addi %scan3A_190, %scan3A_191 : i32
    %scan3A_193 = arith.constant 1 : i32
    scf.for %scan3A_209 = %scan3A_190 to %scan3A_192 step %scan3A_193  : i32 {
      %mul3A_210 = arith.constant 2 : i32
      %mul3A_211 = arith.muli %mul3A_210, %scan3A_209 : i32
      %mul3A_212 = arith.constant 2 : i32
      %mul3A_213 = arith.muli %mul3A_212, %scan3A_209 : i32
      %add3A_214 = arith.constant 1 : i32
      %add3A_215 = arith.addi %mul3A_213, %add3A_214 : i32
      %add3A_216 = arith.constant 2 : i32
      %add3A_217 = arith.addi %mul3A_211, %add3A_216 : i32
      %min3A = arith.constant 127 : i32
      %min3A_218 = arith.minsi %add3A_217, %min3A : i32
      %mul3A_219 = arith.constant 8 : i32
      %mul3A_220 = arith.muli %add3A_215, %mul3A_219 : i32
      %sub3A = arith.constant 1024 : i32
      %sub3A_221 = arith.subi %sub3A, %mul3A_220 : i32
      %sub3A_222 = arith.constant 7 : i32
      %sub3A_223 = arith.subi %sub3A_221, %sub3A_222 : i32
      %add3A_224 = arith.addi %sub3A_223, %mul3A_2 : i32
      %mul3A_225 = arith.constant 128 : i32
      %mul3A_226 = arith.muli %add3A_224, %mul3A_225 : i32
      %dma_start3A_227 = tpu.memref_slice %arg3[%mul3A_226] : memref<263168xf32, #tpu.memory_space<hbm>> -> memref<4992xf32, #tpu.memory_space<hbm>>
      %dma_start3A_228 = tpu.memref_slice %arg3[%mul3A_226] : memref<263168xf32, #tpu.memory_space<hbm>> -> memref<4992xf32, #tpu.memory_space<hbm>>
      tpu.enqueue_dma source(%dma_start3A_228 : memref<4992xf32, #tpu.memory_space<hbm>>) target(%arg7 : memref<4992xf32, #tpu.memory_space<vmem>>) target_semaphore(%arg11 : memref<!tpu.dma_semaphore, #tpu.memory_space<semaphore_mem>>)
      %mul3A_229 = arith.constant 8 : i32
      %mul3A_230 = arith.muli %mul3A_211, %mul3A_229 : i32
      %sub3A_231 = arith.constant 1024 : i32
      %sub3A_232 = arith.subi %sub3A_231, %mul3A_230 : i32
      %sub3A_233 = arith.constant 7 : i32
      %sub3A_234 = arith.subi %sub3A_232, %sub3A_233 : i32
      %add3A_235 = arith.addi %sub3A_234, %mul3A_2 : i32
      %mul3A_236 = arith.constant 128 : i32
      %mul3A_237 = arith.muli %add3A_235, %mul3A_236 : i32
      %dma_wait3A_238 = tpu.memref_slice %arg3[%mul3A_237] : memref<263168xf32, #tpu.memory_space<hbm>> -> memref<4992xf32, #tpu.memory_space<hbm>>
      %dma_wait3A_239 = tpu.memref_slice %arg3[%mul3A_237] : memref<263168xf32, #tpu.memory_space<hbm>> -> memref<4992xf32, #tpu.memory_space<hbm>>
      tpu.wait_dma2 semaphore(%arg10 : memref<!tpu.dma_semaphore, #tpu.memory_space<semaphore_mem>>) src(%dma_wait3A_239 : memref<4992xf32, #tpu.memory_space<hbm>>) dst(%arg6 : memref<4992xf32, #tpu.memory_space<vmem>>)
      %dma_wait3A_240 = arith.constant 0 : i32
      %dma_wait3A_241 = tpu.memref_slice %arg4[%dma_wait3A_240] : memref<134217728xf32, #tpu.memory_space<hbm>> -> memref<32768xf32, #tpu.memory_space<hbm>>
      %dma_wait3A_242 = arith.constant 0 : i32
      %dma_wait3A_243 = tpu.memref_slice %arg4[%dma_wait3A_242] : memref<134217728xf32, #tpu.memory_space<hbm>> -> memref<32768xf32, #tpu.memory_space<hbm>>
      tpu.wait_dma2 semaphore(%arg12 : memref<!tpu.dma_semaphore, #tpu.memory_space<semaphore_mem>>) src(%arg8 : memref<32768xf32, #tpu.memory_space<vmem>>) dst(%dma_wait3A_243 : memref<32768xf32, #tpu.memory_space<hbm>>)
      %parallel_loop3A_244 = arith.constant 0 : i32
      %parallel_loop3A_245 = arith.constant 4096 : i32
      %parallel_loop3A_246 = arith.constant 16 : i32
      scf.for %parallel_loop3A_516 = %parallel_loop3A_244 to %parallel_loop3A_245 step %parallel_loop3A_246  : i32 {
        %parallel_loop3A_517 = arith.index_cast %parallel_loop3A_516 : i32 to index
        %parallel_loop3A_518 = tpu.vector_load %arg5[%parallel_loop3A_517] {strides = array<i32>} : memref<4096xf32, #tpu.memory_space<vmem>>, vector<16xf32>,
        %parallel_loop3A_519 = vector.shape_cast %parallel_loop3A_518 : vector<16xf32> to vector<16xf32>
        %parallel_loop3A_520 = arith.constant 896 : i32
        %parallel_loop3A_521 = arith.addi %parallel_loop3A_520, %parallel_loop3A_516 : i32
        %parallel_loop3A_522 = arith.index_cast %parallel_loop3A_521 : i32 to index
        %parallel_loop3A_523 = tpu.vector_load %arg6[%parallel_loop3A_522] {strides = array<i32>} : memref<4992xf32, #tpu.memory_space<vmem>>, vector<16xf32>,
        %parallel_loop3A_524 = vector.shape_cast %parallel_loop3A_523 : vector<16xf32> to vector<16xf32>
        %parallel_loop3A_525 = arith.addf %parallel_loop3A_519, %parallel_loop3A_524 : vector<16xf32>
        %parallel_loop3A_526 = arith.constant 0 : i32
        %parallel_loop3A_527 = arith.addi %parallel_loop3A_526, %parallel_loop3A_516 : i32
        %parallel_loop3A_528 = arith.index_cast %parallel_loop3A_527 : i32 to index
        %parallel_loop3A_529 = tpu.vector_load %arg8[%parallel_loop3A_528] {strides = array<i32>} : memref<32768xf32, #tpu.memory_space<vmem>>, vector<16xf32>,
        %parallel_loop3A_530 = vector.shape_cast %parallel_loop3A_529 : vector<16xf32> to vector<16xf32>
        %parallel_loop3A_531 = vector.shape_cast %parallel_loop3A_525 : vector<16xf32> to vector<16xf32>
        tpu.vector_store %arg8[%parallel_loop3A_528], %parallel_loop3A_531 {strides = array<i32>} : memref<32768xf32, #tpu.memory_space<vmem>>, vector<16xf32>,
        %parallel_loop3A_532 = arith.constant 768 : i32
        %parallel_loop3A_533 = arith.addi %parallel_loop3A_532, %parallel_loop3A_516 : i32
        %parallel_loop3A_534 = arith.index_cast %parallel_loop3A_533 : i32 to index
        %parallel_loop3A_535 = tpu.vector_load %arg6[%parallel_loop3A_534] {strides = array<i32>} : memref<4992xf32, #tpu.memory_space<vmem>>, vector<16xf32>,
        %parallel_loop3A_536 = vector.shape_cast %parallel_loop3A_535 : vector<16xf32> to vector<16xf32>
        %parallel_loop3A_537 = arith.addf %parallel_loop3A_519, %parallel_loop3A_536 : vector<16xf32>
        %parallel_loop3A_538 = arith.constant 4096 : i32
        %parallel_loop3A_539 = arith.addi %parallel_loop3A_538, %parallel_loop3A_516 : i32
        %parallel_loop3A_540 = arith.index_cast %parallel_loop3A_539 : i32 to index
        %parallel_loop3A_541 = tpu.vector_load %arg8[%parallel_loop3A_540] {strides = array<i32>} : memref<32768xf32, #tpu.memory_space<vmem>>, vector<16xf32>,
        %parallel_loop3A_542 = vector.shape_cast %parallel_loop3A_541 : vector<16xf32> to vector<16xf32>
        %parallel_loop3A_543 = vector.shape_cast %parallel_loop3A_537 : vector<16xf32> to vector<16xf32>
        tpu.vector_store %arg8[%parallel_loop3A_540], %parallel_loop3A_543 {strides = array<i32>} : memref<32768xf32, #tpu.memory_space<vmem>>, vector<16xf32>,
        %parallel_loop3A_544 = arith.constant 640 : i32
        %parallel_loop3A_545 = arith.addi %parallel_loop3A_544, %parallel_loop3A_516 : i32
        %parallel_loop3A_546 = arith.index_cast %parallel_loop3A_545 : i32 to index
        %parallel_loop3A_547 = tpu.vector_load %arg6[%parallel_loop3A_546] {strides = array<i32>} : memref<4992xf32, #tpu.memory_space<vmem>>, vector<16xf32>,
        %parallel_loop3A_548 = vector.shape_cast %parallel_loop3A_547 : vector<16xf32> to vector<16xf32>
        %parallel_loop3A_549 = arith.addf %parallel_loop3A_519, %parallel_loop3A_548 : vector<16xf32>
        %parallel_loop3A_550 = arith.constant 8192 : i32
        %parallel_loop3A_551 = arith.addi %parallel_loop3A_550, %parallel_loop3A_516 : i32
        %parallel_loop3A_552 = arith.index_cast %parallel_loop3A_551 : i32 to index
        %parallel_loop3A_553 = tpu.vector_load %arg8[%parallel_loop3A_552] {strides = array<i32>} : memref<32768xf32, #tpu.memory_space<vmem>>, vector<16xf32>,
        %parallel_loop3A_554 = vector.shape_cast %parallel_loop3A_553 : vector<16xf32> to vector<16xf32>
        %parallel_loop3A_555 = vector.shape_cast %parallel_loop3A_549 : vector<16xf32> to vector<16xf32>
        tpu.vector_store %arg8[%parallel_loop3A_552], %parallel_loop3A_555 {strides = array<i32>} : memref<32768xf32, #tpu.memory_space<vmem>>, vector<16xf32>,
        %parallel_loop3A_556 = arith.constant 512 : i32
        %parallel_loop3A_557 = arith.addi %parallel_loop3A_556, %parallel_loop3A_516 : i32
        %parallel_loop3A_558 = arith.index_cast %parallel_loop3A_557 : i32 to index
        %parallel_loop3A_559 = tpu.vector_load %arg6[%parallel_loop3A_558] {strides = array<i32>} : memref<4992xf32, #tpu.memory_space<vmem>>, vector<16xf32>,
        %parallel_loop3A_560 = vector.shape_cast %parallel_loop3A_559 : vector<16xf32> to vector<16xf32>
        %parallel_loop3A_561 = arith.addf %parallel_loop3A_519, %parallel_loop3A_560 : vector<16xf32>
        %parallel_loop3A_562 = arith.constant 12288 : i32
        %parallel_loop3A_563 = arith.addi %parallel_loop3A_562, %parallel_loop3A_516 : i32
        %parallel_loop3A_564 = arith.index_cast %parallel_loop3A_563 : i32 to index
        %parallel_loop3A_565 = tpu.vector_load %arg8[%parallel_loop3A_564] {strides = array<i32>} : memref<32768xf32, #tpu.memory_space<vmem>>, vector<16xf32>,
        %parallel_loop3A_566 = vector.shape_cast %parallel_loop3A_565 : vector<16xf32> to vector<16xf32>
        %parallel_loop3A_567 = vector.shape_cast %parallel_loop3A_561 : vector<16xf32> to vector<16xf32>
        tpu.vector_store %arg8[%parallel_loop3A_564], %parallel_loop3A_567 {strides = array<i32>} : memref<32768xf32, #tpu.memory_space<vmem>>, vector<16xf32>,
        %parallel_loop3A_568 = arith.constant 384 : i32
        %parallel_loop3A_569 = arith.addi %parallel_loop3A_568, %parallel_loop3A_516 : i32
        %parallel_loop3A_570 = arith.index_cast %parallel_loop3A_569 : i32 to index
        %parallel_loop3A_571 = tpu.vector_load %arg6[%parallel_loop3A_570] {strides = array<i32>} : memref<4992xf32, #tpu.memory_space<vmem>>, vector<16xf32>,
        %parallel_loop3A_572 = vector.shape_cast %parallel_loop3A_571 : vector<16xf32> to vector<16xf32>
        %parallel_loop3A_573 = arith.addf %parallel_loop3A_519, %parallel_loop3A_572 : vector<16xf32>
        %parallel_loop3A_574 = arith.constant 16384 : i32
        %parallel_loop3A_575 = arith.addi %parallel_loop3A_574, %parallel_loop3A_516 : i32
        %parallel_loop3A_576 = arith.index_cast %parallel_loop3A_575 : i32 to index
        %parallel_loop3A_577 = tpu.vector_load %arg8[%parallel_loop3A_576] {strides = array<i32>} : memref<32768xf32, #tpu.memory_space<vmem>>, vector<16xf32>,
        %parallel_loop3A_578 = vector.shape_cast %parallel_loop3A_577 : vector<16xf32> to vector<16xf32>
        %parallel_loop3A_579 = vector.shape_cast %parallel_loop3A_573 : vector<16xf32> to vector<16xf32>
        tpu.vector_store %arg8[%parallel_loop3A_576], %parallel_loop3A_579 {strides = array<i32>} : memref<32768xf32, #tpu.memory_space<vmem>>, vector<16xf32>,
        %parallel_loop3A_580 = arith.constant 256 : i32
        %parallel_loop3A_581 = arith.addi %parallel_loop3A_580, %parallel_loop3A_516 : i32
        %parallel_loop3A_582 = arith.index_cast %parallel_loop3A_581 : i32 to index
        %parallel_loop3A_583 = tpu.vector_load %arg6[%parallel_loop3A_582] {strides = array<i32>} : memref<4992xf32, #tpu.memory_space<vmem>>, vector<16xf32>,
        %parallel_loop3A_584 = vector.shape_cast %parallel_loop3A_583 : vector<16xf32> to vector<16xf32>
        %parallel_loop3A_585 = arith.addf %parallel_loop3A_519, %parallel_loop3A_584 : vector<16xf32>
        %parallel_loop3A_586 = arith.constant 20480 : i32
        %parallel_loop3A_587 = arith.addi %parallel_loop3A_586, %parallel_loop3A_516 : i32
        %parallel_loop3A_588 = arith.index_cast %parallel_loop3A_587 : i32 to index
        %parallel_loop3A_589 = tpu.vector_load %arg8[%parallel_loop3A_588] {strides = array<i32>} : memref<32768xf32, #tpu.memory_space<vmem>>, vector<16xf32>,
        %parallel_loop3A_590 = vector.shape_cast %parallel_loop3A_589 : vector<16xf32> to vector<16xf32>
        %parallel_loop3A_591 = vector.shape_cast %parallel_loop3A_585 : vector<16xf32> to vector<16xf32>
        tpu.vector_store %arg8[%parallel_loop3A_588], %parallel_loop3A_591 {strides = array<i32>} : memref<32768xf32, #tpu.memory_space<vmem>>, vector<16xf32>,
        %parallel_loop3A_592 = arith.constant 128 : i32
        %parallel_loop3A_593 = arith.addi %parallel_loop3A_592, %parallel_loop3A_516 : i32
        %parallel_loop3A_594 = arith.index_cast %parallel_loop3A_593 : i32 to index
        %parallel_loop3A_595 = tpu.vector_load %arg6[%parallel_loop3A_594] {strides = array<i32>} : memref<4992xf32, #tpu.memory_space<vmem>>, vector<16xf32>,
        %parallel_loop3A_596 = vector.shape_cast %parallel_loop3A_595 : vector<16xf32> to vector<16xf32>
        %parallel_loop3A_597 = arith.addf %parallel_loop3A_519, %parallel_loop3A_596 : vector<16xf32>
        %parallel_loop3A_598 = arith.constant 24576 : i32
        %parallel_loop3A_599 = arith.addi %parallel_loop3A_598, %parallel_loop3A_516 : i32
        %parallel_loop3A_600 = arith.index_cast %parallel_loop3A_599 : i32 to index
        %parallel_loop3A_601 = tpu.vector_load %arg8[%parallel_loop3A_600] {strides = array<i32>} : memref<32768xf32, #tpu.memory_space<vmem>>, vector<16xf32>,
        %parallel_loop3A_602 = vector.shape_cast %parallel_loop3A_601 : vector<16xf32> to vector<16xf32>
        %parallel_loop3A_603 = vector.shape_cast %parallel_loop3A_597 : vector<16xf32> to vector<16xf32>
        tpu.vector_store %arg8[%parallel_loop3A_600], %parallel_loop3A_603 {strides = array<i32>} : memref<32768xf32, #tpu.memory_space<vmem>>, vector<16xf32>,
        %parallel_loop3A_604 = arith.constant 0 : i32
        %parallel_loop3A_605 = arith.addi %parallel_loop3A_604, %parallel_loop3A_516 : i32
        %parallel_loop3A_606 = arith.index_cast %parallel_loop3A_605 : i32 to index
        %parallel_loop3A_607 = tpu.vector_load %arg6[%parallel_loop3A_606] {strides = array<i32>} : memref<4992xf32, #tpu.memory_space<vmem>>, vector<16xf32>,
        %parallel_loop3A_608 = vector.shape_cast %parallel_loop3A_607 : vector<16xf32> to vector<16xf32>
        %parallel_loop3A_609 = arith.addf %parallel_loop3A_519, %parallel_loop3A_608 : vector<16xf32>
        %parallel_loop3A_610 = arith.constant 28672 : i32
        %parallel_loop3A_611 = arith.addi %parallel_loop3A_610, %parallel_loop3A_516 : i32
        %parallel_loop3A_612 = arith.index_cast %parallel_loop3A_611 : i32 to index
        %parallel_loop3A_613 = tpu.vector_load %arg8[%parallel_loop3A_612] {strides = array<i32>} : memref<32768xf32, #tpu.memory_space<vmem>>, vector<16xf32>,
        %parallel_loop3A_614 = vector.shape_cast %parallel_loop3A_613 : vector<16xf32> to vector<16xf32>
        %parallel_loop3A_615 = vector.shape_cast %parallel_loop3A_609 : vector<16xf32> to vector<16xf32>
        tpu.vector_store %arg8[%parallel_loop3A_612], %parallel_loop3A_615 {strides = array<i32>} : memref<32768xf32, #tpu.memory_space<vmem>>, vector<16xf32>,
      } {sc.loop_unroll_factor = 2 : i64, sc.parallel_access}
      %mul3A_247 = arith.constant 8 : i32
      %mul3A_248 = arith.muli %mul3A_211, %mul3A_247 : i32
      %add3A_249 = arith.constant 0 : i32
      %add3A_250 = arith.addi %mul3A_248, %add3A_249 : i32
      %mul3A_251 = arith.constant 131072 : i32
      %mul3A_252 = arith.muli %add3A_250, %mul3A_251 : i32
      %mul3A_253 = arith.constant 128 : i32
      %mul3A_254 = arith.muli %mul3A_2, %mul3A_253 : i32
      %add3A_255 = arith.addi %mul3A_252, %mul3A_254 : i32
      %dma_start3A_256 = arith.constant 0 : i32
      %dma_start3A_257 = tpu.memref_slice %arg8[%dma_start3A_256] : memref<32768xf32, #tpu.memory_space<vmem>> -> memref<4096xf32, #tpu.memory_space<vmem>>
      %dma_start3A_258 = tpu.memref_slice %arg4[%add3A_255] : memref<134217728xf32, #tpu.memory_space<hbm>> -> memref<4096xf32, #tpu.memory_space<hbm>>
      %dma_start3A_259 = tpu.memref_slice %arg4[%add3A_255] : memref<134217728xf32, #tpu.memory_space<hbm>> -> memref<4096xf32, #tpu.memory_space<hbm>>
      %dma_start3A_260 = arith.constant 0 : i32
      %dma_start3A_261 = tpu.memref_slice %arg8[%dma_start3A_260] : memref<32768xf32, #tpu.memory_space<vmem>> -> memref<4096xf32, #tpu.memory_space<vmem>>
      tpu.enqueue_dma source(%dma_start3A_261 : memref<4096xf32, #tpu.memory_space<vmem>>) target(%dma_start3A_259 : memref<4096xf32, #tpu.memory_space<hbm>>) target_semaphore(%arg12 : memref<!tpu.dma_semaphore, #tpu.memory_space<semaphore_mem>>)
      %mul3A_262 = arith.constant 8 : i32
      %mul3A_263 = arith.muli %mul3A_211, %mul3A_262 : i32
      %add3A_264 = arith.constant 1 : i32
      %add3A_265 = arith.addi %mul3A_263, %add3A_264 : i32
      %mul3A_266 = arith.constant 131072 : i32
      %mul3A_267 = arith.muli %add3A_265, %mul3A_266 : i32
      %mul3A_268 = arith.constant 128 : i32
      %mul3A_269 = arith.muli %mul3A_2, %mul3A_268 : i32
      %add3A_270 = arith.addi %mul3A_267, %mul3A_269 : i32
      %dma_start3A_271 = arith.constant 4096 : i32
      %dma_start3A_272 = tpu.memref_slice %arg8[%dma_start3A_271] : memref<32768xf32, #tpu.memory_space<vmem>> -> memref<4096xf32, #tpu.memory_space<vmem>>
      %dma_start3A_273 = tpu.memref_slice %arg4[%add3A_270] : memref<134217728xf32, #tpu.memory_space<hbm>> -> memref<4096xf32, #tpu.memory_space<hbm>>
      %dma_start3A_274 = tpu.memref_slice %arg4[%add3A_270] : memref<134217728xf32, #tpu.memory_space<hbm>> -> memref<4096xf32, #tpu.memory_space<hbm>>
      %dma_start3A_275 = arith.constant 4096 : i32
      %dma_start3A_276 = tpu.memref_slice %arg8[%dma_start3A_275] : memref<32768xf32, #tpu.memory_space<vmem>> -> memref<4096xf32, #tpu.memory_space<vmem>>
      tpu.enqueue_dma source(%dma_start3A_276 : memref<4096xf32, #tpu.memory_space<vmem>>) target(%dma_start3A_274 : memref<4096xf32, #tpu.memory_space<hbm>>) target_semaphore(%arg12 : memref<!tpu.dma_semaphore, #tpu.memory_space<semaphore_mem>>)
      %mul3A_277 = arith.constant 8 : i32
      %mul3A_278 = arith.muli %mul3A_211, %mul3A_277 : i32
      %add3A_279 = arith.constant 2 : i32
      %add3A_280 = arith.addi %mul3A_278, %add3A_279 : i32
      %mul3A_281 = arith.constant 131072 : i32
      %mul3A_282 = arith.muli %add3A_280, %mul3A_281 : i32
      %mul3A_283 = arith.constant 128 : i32
      %mul3A_284 = arith.muli %mul3A_2, %mul3A_283 : i32
      %add3A_285 = arith.addi %mul3A_282, %mul3A_284 : i32
      %dma_start3A_286 = arith.constant 8192 : i32
      %dma_start3A_287 = tpu.memref_slice %arg8[%dma_start3A_286] : memref<32768xf32, #tpu.memory_space<vmem>> -> memref<4096xf32, #tpu.memory_space<vmem>>
      %dma_start3A_288 = tpu.memref_slice %arg4[%add3A_285] : memref<134217728xf32, #tpu.memory_space<hbm>> -> memref<4096xf32, #tpu.memory_space<hbm>>
      %dma_start3A_289 = tpu.memref_slice %arg4[%add3A_285] : memref<134217728xf32, #tpu.memory_space<hbm>> -> memref<4096xf32, #tpu.memory_space<hbm>>
      %dma_start3A_290 = arith.constant 8192 : i32
      %dma_start3A_291 = tpu.memref_slice %arg8[%dma_start3A_290] : memref<32768xf32, #tpu.memory_space<vmem>> -> memref<4096xf32, #tpu.memory_space<vmem>>
      tpu.enqueue_dma source(%dma_start3A_291 : memref<4096xf32, #tpu.memory_space<vmem>>) target(%dma_start3A_289 : memref<4096xf32, #tpu.memory_space<hbm>>) target_semaphore(%arg12 : memref<!tpu.dma_semaphore, #tpu.memory_space<semaphore_mem>>)
      %mul3A_292 = arith.constant 8 : i32
      %mul3A_293 = arith.muli %mul3A_211, %mul3A_292 : i32
      %add3A_294 = arith.constant 3 : i32
      %add3A_295 = arith.addi %mul3A_293, %add3A_294 : i32
      %mul3A_296 = arith.constant 131072 : i32
      %mul3A_297 = arith.muli %add3A_295, %mul3A_296 : i32
      %mul3A_298 = arith.constant 128 : i32
      %mul3A_299 = arith.muli %mul3A_2, %mul3A_298 : i32
      %add3A_300 = arith.addi %mul3A_297, %mul3A_299 : i32
      %dma_start3A_301 = arith.constant 12288 : i32
      %dma_start3A_302 = tpu.memref_slice %arg8[%dma_start3A_301] : memref<32768xf32, #tpu.memory_space<vmem>> -> memref<4096xf32, #tpu.memory_space<vmem>>
      %dma_start3A_303 = tpu.memref_slice %arg4[%add3A_300] : memref<134217728xf32, #tpu.memory_space<hbm>> -> memref<4096xf32, #tpu.memory_space<hbm>>
      %dma_start3A_304 = tpu.memref_slice %arg4[%add3A_300] : memref<134217728xf32, #tpu.memory_space<hbm>> -> memref<4096xf32, #tpu.memory_space<hbm>>
      %dma_start3A_305 = arith.constant 12288 : i32
      %dma_start3A_306 = tpu.memref_slice %arg8[%dma_start3A_305] : memref<32768xf32, #tpu.memory_space<vmem>> -> memref<4096xf32, #tpu.memory_space<vmem>>
      tpu.enqueue_dma source(%dma_start3A_306 : memref<4096xf32, #tpu.memory_space<vmem>>) target(%dma_start3A_304 : memref<4096xf32, #tpu.memory_space<hbm>>) target_semaphore(%arg12 : memref<!tpu.dma_semaphore, #tpu.memory_space<semaphore_mem>>)
      %mul3A_307 = arith.constant 8 : i32
      %mul3A_308 = arith.muli %mul3A_211, %mul3A_307 : i32
      %add3A_309 = arith.constant 4 : i32
      %add3A_310 = arith.addi %mul3A_308, %add3A_309 : i32
      %mul3A_311 = arith.constant 131072 : i32
      %mul3A_312 = arith.muli %add3A_310, %mul3A_311 : i32
      %mul3A_313 = arith.constant 128 : i32
      %mul3A_314 = arith.muli %mul3A_2, %mul3A_313 : i32
      %add3A_315 = arith.addi %mul3A_312, %mul3A_314 : i32
      %dma_start3A_316 = arith.constant 16384 : i32
      %dma_start3A_317 = tpu.memref_slice %arg8[%dma_start3A_316] : memref<32768xf32, #tpu.memory_space<vmem>> -> memref<4096xf32, #tpu.memory_space<vmem>>
      %dma_start3A_318 = tpu.memref_slice %arg4[%add3A_315] : memref<134217728xf32, #tpu.memory_space<hbm>> -> memref<4096xf32, #tpu.memory_space<hbm>>
      %dma_start3A_319 = tpu.memref_slice %arg4[%add3A_315] : memref<134217728xf32, #tpu.memory_space<hbm>> -> memref<4096xf32, #tpu.memory_space<hbm>>
      %dma_start3A_320 = arith.constant 16384 : i32
      %dma_start3A_321 = tpu.memref_slice %arg8[%dma_start3A_320] : memref<32768xf32, #tpu.memory_space<vmem>> -> memref<4096xf32, #tpu.memory_space<vmem>>
      tpu.enqueue_dma source(%dma_start3A_321 : memref<4096xf32, #tpu.memory_space<vmem>>) target(%dma_start3A_319 : memref<4096xf32, #tpu.memory_space<hbm>>) target_semaphore(%arg12 : memref<!tpu.dma_semaphore, #tpu.memory_space<semaphore_mem>>)
      %mul3A_322 = arith.constant 8 : i32
      %mul3A_323 = arith.muli %mul3A_211, %mul3A_322 : i32
      %add3A_324 = arith.constant 5 : i32
      %add3A_325 = arith.addi %mul3A_323, %add3A_324 : i32
      %mul3A_326 = arith.constant 131072 : i32
      %mul3A_327 = arith.muli %add3A_325, %mul3A_326 : i32
      %mul3A_328 = arith.constant 128 : i32
      %mul3A_329 = arith.muli %mul3A_2, %mul3A_328 : i32
      %add3A_330 = arith.addi %mul3A_327, %mul3A_329 : i32
      %dma_start3A_331 = arith.constant 20480 : i32
      %dma_start3A_332 = tpu.memref_slice %arg8[%dma_start3A_331] : memref<32768xf32, #tpu.memory_space<vmem>> -> memref<4096xf32, #tpu.memory_space<vmem>>
      %dma_start3A_333 = tpu.memref_slice %arg4[%add3A_330] : memref<134217728xf32, #tpu.memory_space<hbm>> -> memref<4096xf32, #tpu.memory_space<hbm>>
      %dma_start3A_334 = tpu.memref_slice %arg4[%add3A_330] : memref<134217728xf32, #tpu.memory_space<hbm>> -> memref<4096xf32, #tpu.memory_space<hbm>>
      %dma_start3A_335 = arith.constant 20480 : i32
      %dma_start3A_336 = tpu.memref_slice %arg8[%dma_start3A_335] : memref<32768xf32, #tpu.memory_space<vmem>> -> memref<4096xf32, #tpu.memory_space<vmem>>
      tpu.enqueue_dma source(%dma_start3A_336 : memref<4096xf32, #tpu.memory_space<vmem>>) target(%dma_start3A_334 : memref<4096xf32, #tpu.memory_space<hbm>>) target_semaphore(%arg12 : memref<!tpu.dma_semaphore, #tpu.memory_space<semaphore_mem>>)
      %mul3A_337 = arith.constant 8 : i32
      %mul3A_338 = arith.muli %mul3A_211, %mul3A_337 : i32
      %add3A_339 = arith.constant 6 : i32
      %add3A_340 = arith.addi %mul3A_338, %add3A_339 : i32
      %mul3A_341 = arith.constant 131072 : i32
      %mul3A_342 = arith.muli %add3A_340, %mul3A_341 : i32
      %mul3A_343 = arith.constant 128 : i32
      %mul3A_344 = arith.muli %mul3A_2, %mul3A_343 : i32
      %add3A_345 = arith.addi %mul3A_342, %mul3A_344 : i32
      %dma_start3A_346 = arith.constant 24576 : i32
      %dma_start3A_347 = tpu.memref_slice %arg8[%dma_start3A_346] : memref<32768xf32, #tpu.memory_space<vmem>> -> memref<4096xf32, #tpu.memory_space<vmem>>
      %dma_start3A_348 = tpu.memref_slice %arg4[%add3A_345] : memref<134217728xf32, #tpu.memory_space<hbm>> -> memref<4096xf32, #tpu.memory_space<hbm>>
      %dma_start3A_349 = tpu.memref_slice %arg4[%add3A_345] : memref<134217728xf32, #tpu.memory_space<hbm>> -> memref<4096xf32, #tpu.memory_space<hbm>>
      %dma_start3A_350 = arith.constant 24576 : i32
      %dma_start3A_351 = tpu.memref_slice %arg8[%dma_start3A_350] : memref<32768xf32, #tpu.memory_space<vmem>> -> memref<4096xf32, #tpu.memory_space<vmem>>
      tpu.enqueue_dma source(%dma_start3A_351 : memref<4096xf32, #tpu.memory_space<vmem>>) target(%dma_start3A_349 : memref<4096xf32, #tpu.memory_space<hbm>>) target_semaphore(%arg12 : memref<!tpu.dma_semaphore, #tpu.memory_space<semaphore_mem>>)
      %mul3A_352 = arith.constant 8 : i32
      %mul3A_353 = arith.muli %mul3A_211, %mul3A_352 : i32
      %add3A_354 = arith.constant 7 : i32
      %add3A_355 = arith.addi %mul3A_353, %add3A_354 : i32
      %mul3A_356 = arith.constant 131072 : i32
      %mul3A_357 = arith.muli %add3A_355, %mul3A_356 : i32
      %mul3A_358 = arith.constant 128 : i32
      %mul3A_359 = arith.muli %mul3A_2, %mul3A_358 : i32
      %add3A_360 = arith.addi %mul3A_357, %mul3A_359 : i32
      %dma_start3A_361 = arith.constant 28672 : i32
      %dma_start3A_362 = tpu.memref_slice %arg8[%dma_start3A_361] : memref<32768xf32, #tpu.memory_space<vmem>> -> memref<4096xf32, #tpu.memory_space<vmem>>
      %dma_start3A_363 = tpu.memref_slice %arg4[%add3A_360] : memref<134217728xf32, #tpu.memory_space<hbm>> -> memref<4096xf32, #tpu.memory_space<hbm>>
      %dma_start3A_364 = tpu.memref_slice %arg4[%add3A_360] : memref<134217728xf32, #tpu.memory_space<hbm>> -> memref<4096xf32, #tpu.memory_space<hbm>>
      %dma_start3A_365 = arith.constant 28672 : i32
      %dma_start3A_366 = tpu.memref_slice %arg8[%dma_start3A_365] : memref<32768xf32, #tpu.memory_space<vmem>> -> memref<4096xf32, #tpu.memory_space<vmem>>
      tpu.enqueue_dma source(%dma_start3A_366 : memref<4096xf32, #tpu.memory_space<vmem>>) target(%dma_start3A_364 : memref<4096xf32, #tpu.memory_space<hbm>>) target_semaphore(%arg12 : memref<!tpu.dma_semaphore, #tpu.memory_space<semaphore_mem>>)
      %mul3A_367 = arith.constant 8 : i32
      %mul3A_368 = arith.muli %min3A_218, %mul3A_367 : i32
      %sub3A_369 = arith.constant 1024 : i32
      %sub3A_370 = arith.subi %sub3A_369, %mul3A_368 : i32
      %sub3A_371 = arith.constant 7 : i32
      %sub3A_372 = arith.subi %sub3A_370, %sub3A_371 : i32
      %add3A_373 = arith.addi %sub3A_372, %mul3A_2 : i32
      %mul3A_374 = arith.constant 128 : i32
      %mul3A_375 = arith.muli %add3A_373, %mul3A_374 : i32
      %dma_start3A_376 = tpu.memref_slice %arg3[%mul3A_375] : memref<263168xf32, #tpu.memory_space<hbm>> -> memref<4992xf32, #tpu.memory_space<hbm>>
      %dma_start3A_377 = tpu.memref_slice %arg3[%mul3A_375] : memref<263168xf32, #tpu.memory_space<hbm>> -> memref<4992xf32, #tpu.memory_space<hbm>>
      tpu.enqueue_dma source(%dma_start3A_377 : memref<4992xf32, #tpu.memory_space<hbm>>) target(%arg6 : memref<4992xf32, #tpu.memory_space<vmem>>) target_semaphore(%arg10 : memref<!tpu.dma_semaphore, #tpu.memory_space<semaphore_mem>>)
      %mul3A_378 = arith.constant 8 : i32
      %mul3A_379 = arith.muli %add3A_215, %mul3A_378 : i32
      %sub3A_380 = arith.constant 1024 : i32
      %sub3A_381 = arith.subi %sub3A_380, %mul3A_379 : i32
      %sub3A_382 = arith.constant 7 : i32
      %sub3A_383 = arith.subi %sub3A_381, %sub3A_382 : i32
      %add3A_384 = arith.addi %sub3A_383, %mul3A_2 : i32
      %mul3A_385 = arith.constant 128 : i32
      %mul3A_386 = arith.muli %add3A_384, %mul3A_385 : i32
      %dma_wait3A_387 = tpu.memref_slice %arg3[%mul3A_386] : memref<263168xf32, #tpu.memory_space<hbm>> -> memref<4992xf32, #tpu.memory_space<hbm>>
      %dma_wait3A_388 = tpu.memref_slice %arg3[%mul3A_386] : memref<263168xf32, #tpu.memory_space<hbm>> -> memref<4992xf32, #tpu.memory_space<hbm>>
      tpu.wait_dma2 semaphore(%arg11 : memref<!tpu.dma_semaphore, #tpu.memory_space<semaphore_mem>>) src(%dma_wait3A_388 : memref<4992xf32, #tpu.memory_space<hbm>>) dst(%arg7 : memref<4992xf32, #tpu.memory_space<vmem>>)
      %dma_wait3A_389 = arith.constant 0 : i32
      %dma_wait3A_390 = tpu.memref_slice %arg4[%dma_wait3A_389] : memref<134217728xf32, #tpu.memory_space<hbm>> -> memref<32768xf32, #tpu.memory_space<hbm>>
      %dma_wait3A_391 = arith.constant 0 : i32
      %dma_wait3A_392 = tpu.memref_slice %arg4[%dma_wait3A_391] : memref<134217728xf32, #tpu.memory_space<hbm>> -> memref<32768xf32, #tpu.memory_space<hbm>>
      tpu.wait_dma2 semaphore(%arg13 : memref<!tpu.dma_semaphore, #tpu.memory_space<semaphore_mem>>) src(%arg9 : memref<32768xf32, #tpu.memory_space<vmem>>) dst(%dma_wait3A_392 : memref<32768xf32, #tpu.memory_space<hbm>>)
      %parallel_loop3A_393 = arith.constant 0 : i32
      %parallel_loop3A_394 = arith.constant 4096 : i32
      %parallel_loop3A_395 = arith.constant 16 : i32
      scf.for %parallel_loop3A_516 = %parallel_loop3A_393 to %parallel_loop3A_394 step %parallel_loop3A_395  : i32 {
        %parallel_loop3A_517 = arith.index_cast %parallel_loop3A_516 : i32 to index
        %parallel_loop3A_518 = tpu.vector_load %arg5[%parallel_loop3A_517] {strides = array<i32>} : memref<4096xf32, #tpu.memory_space<vmem>>, vector<16xf32>,
        %parallel_loop3A_519 = vector.shape_cast %parallel_loop3A_518 : vector<16xf32> to vector<16xf32>
        %parallel_loop3A_520 = arith.constant 896 : i32
        %parallel_loop3A_521 = arith.addi %parallel_loop3A_520, %parallel_loop3A_516 : i32
        %parallel_loop3A_522 = arith.index_cast %parallel_loop3A_521 : i32 to index
        %parallel_loop3A_523 = tpu.vector_load %arg7[%parallel_loop3A_522] {strides = array<i32>} : memref<4992xf32, #tpu.memory_space<vmem>>, vector<16xf32>,
        %parallel_loop3A_524 = vector.shape_cast %parallel_loop3A_523 : vector<16xf32> to vector<16xf32>
        %parallel_loop3A_525 = arith.addf %parallel_loop3A_519, %parallel_loop3A_524 : vector<16xf32>
        %parallel_loop3A_526 = arith.constant 0 : i32
        %parallel_loop3A_527 = arith.addi %parallel_loop3A_526, %parallel_loop3A_516 : i32
        %parallel_loop3A_528 = arith.index_cast %parallel_loop3A_527 : i32 to index
        %parallel_loop3A_529 = tpu.vector_load %arg9[%parallel_loop3A_528] {strides = array<i32>} : memref<32768xf32, #tpu.memory_space<vmem>>, vector<16xf32>,
        %parallel_loop3A_530 = vector.shape_cast %parallel_loop3A_529 : vector<16xf32> to vector<16xf32>
        %parallel_loop3A_531 = vector.shape_cast %parallel_loop3A_525 : vector<16xf32> to vector<16xf32>
        tpu.vector_store %arg9[%parallel_loop3A_528], %parallel_loop3A_531 {strides = array<i32>} : memref<32768xf32, #tpu.memory_space<vmem>>, vector<16xf32>,
        %parallel_loop3A_532 = arith.constant 768 : i32
        %parallel_loop3A_533 = arith.addi %parallel_loop3A_532, %parallel_loop3A_516 : i32
        %parallel_loop3A_534 = arith.index_cast %parallel_loop3A_533 : i32 to index
        %parallel_loop3A_535 = tpu.vector_load %arg7[%parallel_loop3A_534] {strides = array<i32>} : memref<4992xf32, #tpu.memory_space<vmem>>, vector<16xf32>,
        %parallel_loop3A_536 = vector.shape_cast %parallel_loop3A_535 : vector<16xf32> to vector<16xf32>
        %parallel_loop3A_537 = arith.addf %parallel_loop3A_519, %parallel_loop3A_536 : vector<16xf32>
        %parallel_loop3A_538 = arith.constant 4096 : i32
        %parallel_loop3A_539 = arith.addi %parallel_loop3A_538, %parallel_loop3A_516 : i32
        %parallel_loop3A_540 = arith.index_cast %parallel_loop3A_539 : i32 to index
        %parallel_loop3A_541 = tpu.vector_load %arg9[%parallel_loop3A_540] {strides = array<i32>} : memref<32768xf32, #tpu.memory_space<vmem>>, vector<16xf32>,
        %parallel_loop3A_542 = vector.shape_cast %parallel_loop3A_541 : vector<16xf32> to vector<16xf32>
        %parallel_loop3A_543 = vector.shape_cast %parallel_loop3A_537 : vector<16xf32> to vector<16xf32>
        tpu.vector_store %arg9[%parallel_loop3A_540], %parallel_loop3A_543 {strides = array<i32>} : memref<32768xf32, #tpu.memory_space<vmem>>, vector<16xf32>,
        %parallel_loop3A_544 = arith.constant 640 : i32
        %parallel_loop3A_545 = arith.addi %parallel_loop3A_544, %parallel_loop3A_516 : i32
        %parallel_loop3A_546 = arith.index_cast %parallel_loop3A_545 : i32 to index
        %parallel_loop3A_547 = tpu.vector_load %arg7[%parallel_loop3A_546] {strides = array<i32>} : memref<4992xf32, #tpu.memory_space<vmem>>, vector<16xf32>,
        %parallel_loop3A_548 = vector.shape_cast %parallel_loop3A_547 : vector<16xf32> to vector<16xf32>
        %parallel_loop3A_549 = arith.addf %parallel_loop3A_519, %parallel_loop3A_548 : vector<16xf32>
        %parallel_loop3A_550 = arith.constant 8192 : i32
        %parallel_loop3A_551 = arith.addi %parallel_loop3A_550, %parallel_loop3A_516 : i32
        %parallel_loop3A_552 = arith.index_cast %parallel_loop3A_551 : i32 to index
        %parallel_loop3A_553 = tpu.vector_load %arg9[%parallel_loop3A_552] {strides = array<i32>} : memref<32768xf32, #tpu.memory_space<vmem>>, vector<16xf32>,
        %parallel_loop3A_554 = vector.shape_cast %parallel_loop3A_553 : vector<16xf32> to vector<16xf32>
        %parallel_loop3A_555 = vector.shape_cast %parallel_loop3A_549 : vector<16xf32> to vector<16xf32>
        tpu.vector_store %arg9[%parallel_loop3A_552], %parallel_loop3A_555 {strides = array<i32>} : memref<32768xf32, #tpu.memory_space<vmem>>, vector<16xf32>,
        %parallel_loop3A_556 = arith.constant 512 : i32
        %parallel_loop3A_557 = arith.addi %parallel_loop3A_556, %parallel_loop3A_516 : i32
        %parallel_loop3A_558 = arith.index_cast %parallel_loop3A_557 : i32 to index
        %parallel_loop3A_559 = tpu.vector_load %arg7[%parallel_loop3A_558] {strides = array<i32>} : memref<4992xf32, #tpu.memory_space<vmem>>, vector<16xf32>,
        %parallel_loop3A_560 = vector.shape_cast %parallel_loop3A_559 : vector<16xf32> to vector<16xf32>
        %parallel_loop3A_561 = arith.addf %parallel_loop3A_519, %parallel_loop3A_560 : vector<16xf32>
        %parallel_loop3A_562 = arith.constant 12288 : i32
        %parallel_loop3A_563 = arith.addi %parallel_loop3A_562, %parallel_loop3A_516 : i32
        %parallel_loop3A_564 = arith.index_cast %parallel_loop3A_563 : i32 to index
        %parallel_loop3A_565 = tpu.vector_load %arg9[%parallel_loop3A_564] {strides = array<i32>} : memref<32768xf32, #tpu.memory_space<vmem>>, vector<16xf32>,
        %parallel_loop3A_566 = vector.shape_cast %parallel_loop3A_565 : vector<16xf32> to vector<16xf32>
        %parallel_loop3A_567 = vector.shape_cast %parallel_loop3A_561 : vector<16xf32> to vector<16xf32>
        tpu.vector_store %arg9[%parallel_loop3A_564], %parallel_loop3A_567 {strides = array<i32>} : memref<32768xf32, #tpu.memory_space<vmem>>, vector<16xf32>,
        %parallel_loop3A_568 = arith.constant 384 : i32
        %parallel_loop3A_569 = arith.addi %parallel_loop3A_568, %parallel_loop3A_516 : i32
        %parallel_loop3A_570 = arith.index_cast %parallel_loop3A_569 : i32 to index
        %parallel_loop3A_571 = tpu.vector_load %arg7[%parallel_loop3A_570] {strides = array<i32>} : memref<4992xf32, #tpu.memory_space<vmem>>, vector<16xf32>,
        %parallel_loop3A_572 = vector.shape_cast %parallel_loop3A_571 : vector<16xf32> to vector<16xf32>
        %parallel_loop3A_573 = arith.addf %parallel_loop3A_519, %parallel_loop3A_572 : vector<16xf32>
        %parallel_loop3A_574 = arith.constant 16384 : i32
        %parallel_loop3A_575 = arith.addi %parallel_loop3A_574, %parallel_loop3A_516 : i32
        %parallel_loop3A_576 = arith.index_cast %parallel_loop3A_575 : i32 to index
        %parallel_loop3A_577 = tpu.vector_load %arg9[%parallel_loop3A_576] {strides = array<i32>} : memref<32768xf32, #tpu.memory_space<vmem>>, vector<16xf32>,
        %parallel_loop3A_578 = vector.shape_cast %parallel_loop3A_577 : vector<16xf32> to vector<16xf32>
        %parallel_loop3A_579 = vector.shape_cast %parallel_loop3A_573 : vector<16xf32> to vector<16xf32>
        tpu.vector_store %arg9[%parallel_loop3A_576], %parallel_loop3A_579 {strides = array<i32>} : memref<32768xf32, #tpu.memory_space<vmem>>, vector<16xf32>,
        %parallel_loop3A_580 = arith.constant 256 : i32
        %parallel_loop3A_581 = arith.addi %parallel_loop3A_580, %parallel_loop3A_516 : i32
        %parallel_loop3A_582 = arith.index_cast %parallel_loop3A_581 : i32 to index
        %parallel_loop3A_583 = tpu.vector_load %arg7[%parallel_loop3A_582] {strides = array<i32>} : memref<4992xf32, #tpu.memory_space<vmem>>, vector<16xf32>,
        %parallel_loop3A_584 = vector.shape_cast %parallel_loop3A_583 : vector<16xf32> to vector<16xf32>
        %parallel_loop3A_585 = arith.addf %parallel_loop3A_519, %parallel_loop3A_584 : vector<16xf32>
        %parallel_loop3A_586 = arith.constant 20480 : i32
        %parallel_loop3A_587 = arith.addi %parallel_loop3A_586, %parallel_loop3A_516 : i32
        %parallel_loop3A_588 = arith.index_cast %parallel_loop3A_587 : i32 to index
        %parallel_loop3A_589 = tpu.vector_load %arg9[%parallel_loop3A_588] {strides = array<i32>} : memref<32768xf32, #tpu.memory_space<vmem>>, vector<16xf32>,
        %parallel_loop3A_590 = vector.shape_cast %parallel_loop3A_589 : vector<16xf32> to vector<16xf32>
        %parallel_loop3A_591 = vector.shape_cast %parallel_loop3A_585 : vector<16xf32> to vector<16xf32>
        tpu.vector_store %arg9[%parallel_loop3A_588], %parallel_loop3A_591 {strides = array<i32>} : memref<32768xf32, #tpu.memory_space<vmem>>, vector<16xf32>,
        %parallel_loop3A_592 = arith.constant 128 : i32
        %parallel_loop3A_593 = arith.addi %parallel_loop3A_592, %parallel_loop3A_516 : i32
        %parallel_loop3A_594 = arith.index_cast %parallel_loop3A_593 : i32 to index
        %parallel_loop3A_595 = tpu.vector_load %arg7[%parallel_loop3A_594] {strides = array<i32>} : memref<4992xf32, #tpu.memory_space<vmem>>, vector<16xf32>,
        %parallel_loop3A_596 = vector.shape_cast %parallel_loop3A_595 : vector<16xf32> to vector<16xf32>
        %parallel_loop3A_597 = arith.addf %parallel_loop3A_519, %parallel_loop3A_596 : vector<16xf32>
        %parallel_loop3A_598 = arith.constant 24576 : i32
        %parallel_loop3A_599 = arith.addi %parallel_loop3A_598, %parallel_loop3A_516 : i32
        %parallel_loop3A_600 = arith.index_cast %parallel_loop3A_599 : i32 to index
        %parallel_loop3A_601 = tpu.vector_load %arg9[%parallel_loop3A_600] {strides = array<i32>} : memref<32768xf32, #tpu.memory_space<vmem>>, vector<16xf32>,
        %parallel_loop3A_602 = vector.shape_cast %parallel_loop3A_601 : vector<16xf32> to vector<16xf32>
        %parallel_loop3A_603 = vector.shape_cast %parallel_loop3A_597 : vector<16xf32> to vector<16xf32>
        tpu.vector_store %arg9[%parallel_loop3A_600], %parallel_loop3A_603 {strides = array<i32>} : memref<32768xf32, #tpu.memory_space<vmem>>, vector<16xf32>,
        %parallel_loop3A_604 = arith.constant 0 : i32
        %parallel_loop3A_605 = arith.addi %parallel_loop3A_604, %parallel_loop3A_516 : i32
        %parallel_loop3A_606 = arith.index_cast %parallel_loop3A_605 : i32 to index
        %parallel_loop3A_607 = tpu.vector_load %arg7[%parallel_loop3A_606] {strides = array<i32>} : memref<4992xf32, #tpu.memory_space<vmem>>, vector<16xf32>,
        %parallel_loop3A_608 = vector.shape_cast %parallel_loop3A_607 : vector<16xf32> to vector<16xf32>
        %parallel_loop3A_609 = arith.addf %parallel_loop3A_519, %parallel_loop3A_608 : vector<16xf32>
        %parallel_loop3A_610 = arith.constant 28672 : i32
        %parallel_loop3A_611 = arith.addi %parallel_loop3A_610, %parallel_loop3A_516 : i32
        %parallel_loop3A_612 = arith.index_cast %parallel_loop3A_611 : i32 to index
        %parallel_loop3A_613 = tpu.vector_load %arg9[%parallel_loop3A_612] {strides = array<i32>} : memref<32768xf32, #tpu.memory_space<vmem>>, vector<16xf32>,
        %parallel_loop3A_614 = vector.shape_cast %parallel_loop3A_613 : vector<16xf32> to vector<16xf32>
        %parallel_loop3A_615 = vector.shape_cast %parallel_loop3A_609 : vector<16xf32> to vector<16xf32>
        tpu.vector_store %arg9[%parallel_loop3A_612], %parallel_loop3A_615 {strides = array<i32>} : memref<32768xf32, #tpu.memory_space<vmem>>, vector<16xf32>,
      } {sc.loop_unroll_factor = 2 : i64, sc.parallel_access}
      %mul3A_396 = arith.constant 8 : i32
      %mul3A_397 = arith.muli %add3A_215, %mul3A_396 : i32
      %add3A_398 = arith.constant 0 : i32
      %add3A_399 = arith.addi %mul3A_397, %add3A_398 : i32
      %mul3A_400 = arith.constant 131072 : i32
      %mul3A_401 = arith.muli %add3A_399, %mul3A_400 : i32
      %mul3A_402 = arith.constant 128 : i32
      %mul3A_403 = arith.muli %mul3A_2, %mul3A_402 : i32
      %add3A_404 = arith.addi %mul3A_401, %mul3A_403 : i32
      %dma_start3A_405 = arith.constant 0 : i32
      %dma_start3A_406 = tpu.memref_slice %arg9[%dma_start3A_405] : memref<32768xf32, #tpu.memory_space<vmem>> -> memref<4096xf32, #tpu.memory_space<vmem>>
      %dma_start3A_407 = tpu.memref_slice %arg4[%add3A_404] : memref<134217728xf32, #tpu.memory_space<hbm>> -> memref<4096xf32, #tpu.memory_space<hbm>>
      %dma_start3A_408 = tpu.memref_slice %arg4[%add3A_404] : memref<134217728xf32, #tpu.memory_space<hbm>> -> memref<4096xf32, #tpu.memory_space<hbm>>
      %dma_start3A_409 = arith.constant 0 : i32
      %dma_start3A_410 = tpu.memref_slice %arg9[%dma_start3A_409] : memref<32768xf32, #tpu.memory_space<vmem>> -> memref<4096xf32, #tpu.memory_space<vmem>>
      tpu.enqueue_dma source(%dma_start3A_410 : memref<4096xf32, #tpu.memory_space<vmem>>) target(%dma_start3A_408 : memref<4096xf32, #tpu.memory_space<hbm>>) target_semaphore(%arg13 : memref<!tpu.dma_semaphore, #tpu.memory_space<semaphore_mem>>)
      %mul3A_411 = arith.constant 8 : i32
      %mul3A_412 = arith.muli %add3A_215, %mul3A_411 : i32
      %add3A_413 = arith.constant 1 : i32
      %add3A_414 = arith.addi %mul3A_412, %add3A_413 : i32
      %mul3A_415 = arith.constant 131072 : i32
      %mul3A_416 = arith.muli %add3A_414, %mul3A_415 : i32
      %mul3A_417 = arith.constant 128 : i32
      %mul3A_418 = arith.muli %mul3A_2, %mul3A_417 : i32
      %add3A_419 = arith.addi %mul3A_416, %mul3A_418 : i32
      %dma_start3A_420 = arith.constant 4096 : i32
      %dma_start3A_421 = tpu.memref_slice %arg9[%dma_start3A_420] : memref<32768xf32, #tpu.memory_space<vmem>> -> memref<4096xf32, #tpu.memory_space<vmem>>
      %dma_start3A_422 = tpu.memref_slice %arg4[%add3A_419] : memref<134217728xf32, #tpu.memory_space<hbm>> -> memref<4096xf32, #tpu.memory_space<hbm>>
      %dma_start3A_423 = tpu.memref_slice %arg4[%add3A_419] : memref<134217728xf32, #tpu.memory_space<hbm>> -> memref<4096xf32, #tpu.memory_space<hbm>>
      %dma_start3A_424 = arith.constant 4096 : i32
      %dma_start3A_425 = tpu.memref_slice %arg9[%dma_start3A_424] : memref<32768xf32, #tpu.memory_space<vmem>> -> memref<4096xf32, #tpu.memory_space<vmem>>
      tpu.enqueue_dma source(%dma_start3A_425 : memref<4096xf32, #tpu.memory_space<vmem>>) target(%dma_start3A_423 : memref<4096xf32, #tpu.memory_space<hbm>>) target_semaphore(%arg13 : memref<!tpu.dma_semaphore, #tpu.memory_space<semaphore_mem>>)
      %mul3A_426 = arith.constant 8 : i32
      %mul3A_427 = arith.muli %add3A_215, %mul3A_426 : i32
      %add3A_428 = arith.constant 2 : i32
      %add3A_429 = arith.addi %mul3A_427, %add3A_428 : i32
      %mul3A_430 = arith.constant 131072 : i32
      %mul3A_431 = arith.muli %add3A_429, %mul3A_430 : i32
      %mul3A_432 = arith.constant 128 : i32
      %mul3A_433 = arith.muli %mul3A_2, %mul3A_432 : i32
      %add3A_434 = arith.addi %mul3A_431, %mul3A_433 : i32
      %dma_start3A_435 = arith.constant 8192 : i32
      %dma_start3A_436 = tpu.memref_slice %arg9[%dma_start3A_435] : memref<32768xf32, #tpu.memory_space<vmem>> -> memref<4096xf32, #tpu.memory_space<vmem>>
      %dma_start3A_437 = tpu.memref_slice %arg4[%add3A_434] : memref<134217728xf32, #tpu.memory_space<hbm>> -> memref<4096xf32, #tpu.memory_space<hbm>>
      %dma_start3A_438 = tpu.memref_slice %arg4[%add3A_434] : memref<134217728xf32, #tpu.memory_space<hbm>> -> memref<4096xf32, #tpu.memory_space<hbm>>
      %dma_start3A_439 = arith.constant 8192 : i32
      %dma_start3A_440 = tpu.memref_slice %arg9[%dma_start3A_439] : memref<32768xf32, #tpu.memory_space<vmem>> -> memref<4096xf32, #tpu.memory_space<vmem>>
      tpu.enqueue_dma source(%dma_start3A_440 : memref<4096xf32, #tpu.memory_space<vmem>>) target(%dma_start3A_438 : memref<4096xf32, #tpu.memory_space<hbm>>) target_semaphore(%arg13 : memref<!tpu.dma_semaphore, #tpu.memory_space<semaphore_mem>>)
      %mul3A_441 = arith.constant 8 : i32
      %mul3A_442 = arith.muli %add3A_215, %mul3A_441 : i32
      %add3A_443 = arith.constant 3 : i32
      %add3A_444 = arith.addi %mul3A_442, %add3A_443 : i32
      %mul3A_445 = arith.constant 131072 : i32
      %mul3A_446 = arith.muli %add3A_444, %mul3A_445 : i32
      %mul3A_447 = arith.constant 128 : i32
      %mul3A_448 = arith.muli %mul3A_2, %mul3A_447 : i32
      %add3A_449 = arith.addi %mul3A_446, %mul3A_448 : i32
      %dma_start3A_450 = arith.constant 12288 : i32
      %dma_start3A_451 = tpu.memref_slice %arg9[%dma_start3A_450] : memref<32768xf32, #tpu.memory_space<vmem>> -> memref<4096xf32, #tpu.memory_space<vmem>>
      %dma_start3A_452 = tpu.memref_slice %arg4[%add3A_449] : memref<134217728xf32, #tpu.memory_space<hbm>> -> memref<4096xf32, #tpu.memory_space<hbm>>
      %dma_start3A_453 = tpu.memref_slice %arg4[%add3A_449] : memref<134217728xf32, #tpu.memory_space<hbm>> -> memref<4096xf32, #tpu.memory_space<hbm>>
      %dma_start3A_454 = arith.constant 12288 : i32
      %dma_start3A_455 = tpu.memref_slice %arg9[%dma_start3A_454] : memref<32768xf32, #tpu.memory_space<vmem>> -> memref<4096xf32, #tpu.memory_space<vmem>>
      tpu.enqueue_dma source(%dma_start3A_455 : memref<4096xf32, #tpu.memory_space<vmem>>) target(%dma_start3A_453 : memref<4096xf32, #tpu.memory_space<hbm>>) target_semaphore(%arg13 : memref<!tpu.dma_semaphore, #tpu.memory_space<semaphore_mem>>)
      %mul3A_456 = arith.constant 8 : i32
      %mul3A_457 = arith.muli %add3A_215, %mul3A_456 : i32
      %add3A_458 = arith.constant 4 : i32
      %add3A_459 = arith.addi %mul3A_457, %add3A_458 : i32
      %mul3A_460 = arith.constant 131072 : i32
      %mul3A_461 = arith.muli %add3A_459, %mul3A_460 : i32
      %mul3A_462 = arith.constant 128 : i32
      %mul3A_463 = arith.muli %mul3A_2, %mul3A_462 : i32
      %add3A_464 = arith.addi %mul3A_461, %mul3A_463 : i32
      %dma_start3A_465 = arith.constant 16384 : i32
      %dma_start3A_466 = tpu.memref_slice %arg9[%dma_start3A_465] : memref<32768xf32, #tpu.memory_space<vmem>> -> memref<4096xf32, #tpu.memory_space<vmem>>
      %dma_start3A_467 = tpu.memref_slice %arg4[%add3A_464] : memref<134217728xf32, #tpu.memory_space<hbm>> -> memref<4096xf32, #tpu.memory_space<hbm>>
      %dma_start3A_468 = tpu.memref_slice %arg4[%add3A_464] : memref<134217728xf32, #tpu.memory_space<hbm>> -> memref<4096xf32, #tpu.memory_space<hbm>>
      %dma_start3A_469 = arith.constant 16384 : i32
      %dma_start3A_470 = tpu.memref_slice %arg9[%dma_start3A_469] : memref<32768xf32, #tpu.memory_space<vmem>> -> memref<4096xf32, #tpu.memory_space<vmem>>
      tpu.enqueue_dma source(%dma_start3A_470 : memref<4096xf32, #tpu.memory_space<vmem>>) target(%dma_start3A_468 : memref<4096xf32, #tpu.memory_space<hbm>>) target_semaphore(%arg13 : memref<!tpu.dma_semaphore, #tpu.memory_space<semaphore_mem>>)
      %mul3A_471 = arith.constant 8 : i32
      %mul3A_472 = arith.muli %add3A_215, %mul3A_471 : i32
      %add3A_473 = arith.constant 5 : i32
      %add3A_474 = arith.addi %mul3A_472, %add3A_473 : i32
      %mul3A_475 = arith.constant 131072 : i32
      %mul3A_476 = arith.muli %add3A_474, %mul3A_475 : i32
      %mul3A_477 = arith.constant 128 : i32
      %mul3A_478 = arith.muli %mul3A_2, %mul3A_477 : i32
      %add3A_479 = arith.addi %mul3A_476, %mul3A_478 : i32
      %dma_start3A_480 = arith.constant 20480 : i32
      %dma_start3A_481 = tpu.memref_slice %arg9[%dma_start3A_480] : memref<32768xf32, #tpu.memory_space<vmem>> -> memref<4096xf32, #tpu.memory_space<vmem>>
      %dma_start3A_482 = tpu.memref_slice %arg4[%add3A_479] : memref<134217728xf32, #tpu.memory_space<hbm>> -> memref<4096xf32, #tpu.memory_space<hbm>>
      %dma_start3A_483 = tpu.memref_slice %arg4[%add3A_479] : memref<134217728xf32, #tpu.memory_space<hbm>> -> memref<4096xf32, #tpu.memory_space<hbm>>
      %dma_start3A_484 = arith.constant 20480 : i32
      %dma_start3A_485 = tpu.memref_slice %arg9[%dma_start3A_484] : memref<32768xf32, #tpu.memory_space<vmem>> -> memref<4096xf32, #tpu.memory_space<vmem>>
      tpu.enqueue_dma source(%dma_start3A_485 : memref<4096xf32, #tpu.memory_space<vmem>>) target(%dma_start3A_483 : memref<4096xf32, #tpu.memory_space<hbm>>) target_semaphore(%arg13 : memref<!tpu.dma_semaphore, #tpu.memory_space<semaphore_mem>>)
      %mul3A_486 = arith.constant 8 : i32
      %mul3A_487 = arith.muli %add3A_215, %mul3A_486 : i32
      %add3A_488 = arith.constant 6 : i32
      %add3A_489 = arith.addi %mul3A_487, %add3A_488 : i32
      %mul3A_490 = arith.constant 131072 : i32
      %mul3A_491 = arith.muli %add3A_489, %mul3A_490 : i32
      %mul3A_492 = arith.constant 128 : i32
      %mul3A_493 = arith.muli %mul3A_2, %mul3A_492 : i32
      %add3A_494 = arith.addi %mul3A_491, %mul3A_493 : i32
      %dma_start3A_495 = arith.constant 24576 : i32
      %dma_start3A_496 = tpu.memref_slice %arg9[%dma_start3A_495] : memref<32768xf32, #tpu.memory_space<vmem>> -> memref<4096xf32, #tpu.memory_space<vmem>>
      %dma_start3A_497 = tpu.memref_slice %arg4[%add3A_494] : memref<134217728xf32, #tpu.memory_space<hbm>> -> memref<4096xf32, #tpu.memory_space<hbm>>
      %dma_start3A_498 = tpu.memref_slice %arg4[%add3A_494] : memref<134217728xf32, #tpu.memory_space<hbm>> -> memref<4096xf32, #tpu.memory_space<hbm>>
      %dma_start3A_499 = arith.constant 24576 : i32
      %dma_start3A_500 = tpu.memref_slice %arg9[%dma_start3A_499] : memref<32768xf32, #tpu.memory_space<vmem>> -> memref<4096xf32, #tpu.memory_space<vmem>>
      tpu.enqueue_dma source(%dma_start3A_500 : memref<4096xf32, #tpu.memory_space<vmem>>) target(%dma_start3A_498 : memref<4096xf32, #tpu.memory_space<hbm>>) target_semaphore(%arg13 : memref<!tpu.dma_semaphore, #tpu.memory_space<semaphore_mem>>)
      %mul3A_501 = arith.constant 8 : i32
      %mul3A_502 = arith.muli %add3A_215, %mul3A_501 : i32
      %add3A_503 = arith.constant 7 : i32
      %add3A_504 = arith.addi %mul3A_502, %add3A_503 : i32
      %mul3A_505 = arith.constant 131072 : i32
      %mul3A_506 = arith.muli %add3A_504, %mul3A_505 : i32
      %mul3A_507 = arith.constant 128 : i32
      %mul3A_508 = arith.muli %mul3A_2, %mul3A_507 : i32
      %add3A_509 = arith.addi %mul3A_506, %mul3A_508 : i32
      %dma_start3A_510 = arith.constant 28672 : i32
      %dma_start3A_511 = tpu.memref_slice %arg9[%dma_start3A_510] : memref<32768xf32, #tpu.memory_space<vmem>> -> memref<4096xf32, #tpu.memory_space<vmem>>
      %dma_start3A_512 = tpu.memref_slice %arg4[%add3A_509] : memref<134217728xf32, #tpu.memory_space<hbm>> -> memref<4096xf32, #tpu.memory_space<hbm>>
      %dma_start3A_513 = tpu.memref_slice %arg4[%add3A_509] : memref<134217728xf32, #tpu.memory_space<hbm>> -> memref<4096xf32, #tpu.memory_space<hbm>>
      %dma_start3A_514 = arith.constant 28672 : i32
      %dma_start3A_515 = tpu.memref_slice %arg9[%dma_start3A_514] : memref<32768xf32, #tpu.memory_space<vmem>> -> memref<4096xf32, #tpu.memory_space<vmem>>
      tpu.enqueue_dma source(%dma_start3A_515 : memref<4096xf32, #tpu.memory_space<vmem>>) target(%dma_start3A_513 : memref<4096xf32, #tpu.memory_space<hbm>>) target_semaphore(%arg13 : memref<!tpu.dma_semaphore, #tpu.memory_space<semaphore_mem>>)
    }
    %scan3A_194 = arith.constant 63 : i32
    %add3A_195 = arith.constant 1 : i32
    %add3A_196 = arith.addi %add3A_195, %mul3A_2 : i32
    %mul3A_197 = arith.constant 128 : i32
    %mul3A_198 = arith.muli %add3A_196, %mul3A_197 : i32
    %dma_wait3A_199 = tpu.memref_slice %arg3[%mul3A_198] : memref<263168xf32, #tpu.memory_space<hbm>> -> memref<4992xf32, #tpu.memory_space<hbm>>
    %dma_wait3A_200 = tpu.memref_slice %arg3[%mul3A_198] : memref<263168xf32, #tpu.memory_space<hbm>> -> memref<4992xf32, #tpu.memory_space<hbm>>
    tpu.wait_dma2 semaphore(%arg10 : memref<!tpu.dma_semaphore, #tpu.memory_space<semaphore_mem>>) src(%dma_wait3A_200 : memref<4992xf32, #tpu.memory_space<hbm>>) dst(%arg6 : memref<4992xf32, #tpu.memory_space<vmem>>)
    %dma_wait3A_201 = arith.constant 0 : i32
    %dma_wait3A_202 = tpu.memref_slice %arg4[%dma_wait3A_201] : memref<134217728xf32, #tpu.memory_space<hbm>> -> memref<32768xf32, #tpu.memory_space<hbm>>
    %dma_wait3A_203 = arith.constant 0 : i32
    %dma_wait3A_204 = tpu.memref_slice %arg4[%dma_wait3A_203] : memref<134217728xf32, #tpu.memory_space<hbm>> -> memref<32768xf32, #tpu.memory_space<hbm>>
    tpu.wait_dma2 semaphore(%arg12 : memref<!tpu.dma_semaphore, #tpu.memory_space<semaphore_mem>>) src(%arg8 : memref<32768xf32, #tpu.memory_space<vmem>>) dst(%dma_wait3A_204 : memref<32768xf32, #tpu.memory_space<hbm>>)
    %dma_wait3A_205 = arith.constant 0 : i32
    %dma_wait3A_206 = tpu.memref_slice %arg4[%dma_wait3A_205] : memref<134217728xf32, #tpu.memory_space<hbm>> -> memref<32768xf32, #tpu.memory_space<hbm>>
    %dma_wait3A_207 = arith.constant 0 : i32
    %dma_wait3A_208 = tpu.memref_slice %arg4[%dma_wait3A_207] : memref<134217728xf32, #tpu.memory_space<hbm>> -> memref<32768xf32, #tpu.memory_space<hbm>>
    tpu.wait_dma2 semaphore(%arg13 : memref<!tpu.dma_semaphore, #tpu.memory_space<semaphore_mem>>) src(%arg9 : memref<32768xf32, #tpu.memory_space<vmem>>) dst(%dma_wait3A_208 : memref<32768xf32, #tpu.memory_space<hbm>>)
    return
  }
}

</mosaic_0001>

<sc_bundles>
// kernel: kernel.3.cloned.1.call-start
scs
__scs_entry_jumppad:
0x0: {  	(pc) =	sbr.rel $0x88, $3  }
0x1: {  	(tag) =	ssettag $0x0;
	lr =	simm.s32 $0x1  }
0x2: {  	[smem:$0x3F9F] =	sst lr;
	_ =	strace $0xD0000000  }
0x3: {  	_ = 	snop  }
0x4: {  	_ = 	snop  }
0x5: {  	_ = 	snop  }
0x6: {  	_ = 	snop  }
0x7: {  	_ = 	snop  }
__scs_overlays_trampoline_lowered:
0x8: {  	[smem:$0x3FAE] =	sst s0  }
0x9: {  	[smem:$0x3FAF] =	sst s1  }
0xa: {  	[smem:$0x3FB0] =	sst s2  }
0xb: {  	[smem:$0x3FB1] =	sst s3  }
0xc: {  	[smem:$0x3FB2] =	sst s4  }
0xd: {  	[smem:$0x3FB3] =	sst s5  }
0xe: {  	[smem:$0x3FB4] =	sst s6  }
0xf: {  	[smem:$0x3FB5] =	sst s7  }
0x10: {  	[smem:$0x3FB6] =	sst s8  }
0x11: {  	[smem:$0x3FB7] =	sst s9;
	s0 =	simm.s32 @!p0 $0x0  }
0x12: {  	s1 =	sld [smem:$0x3F9D];
	s0 =	simm.s32 @p0 $0x1  }
0x13: {  	[smem:$0x3FB8] =	sst s0;
	s0 =	simm.s32 @!p1 $0x0  }
0x14: {  	s2 =	sld [smem:$0x3F9C];
	s0 =	simm.s32 @p1 $0x1  }
0x15: {  	[smem:$0x3FB9] =	sst s0;
	s0 =	simm.s32 @!p2 $0x0  }
0x16: {  	s3 =	sld [smem:$0x3FDB];
	s0 =	simm.s32 @p2 $0x1  }
0x17: {  	s4 =	simm.s32 $0x1BF5;
	[smem:$0x3FBB] =	sst s0  }
0x18: {  	s0 =	sld [smem:$0x3F9E];
	_ =	swait.ge [sflag:s4], $0x0  }
0x19: {  	s7 =	sld [smem:$0x3F9F]  }
0x1a: {  	s8 =	sadd.s32 $0xFFFFE003, lr  }
0x1b: {  	s9 =	sadd.s32 $0xFFFFFEF7, lr;
	s5 =	simm.s32 $0xFFFFFFFF;
	p2 =	slt.u32 s8, $0xFFFFF086  }
0x1c: {  	p1 =	slt.u32 s9, $0xF7A;
	s5 =	simm.s32 @!p2 $0x0  }
0x1d: {  	s5 =	simm.s32 @p1 $0x1;
	p0 =	seq.s32 s7, s2  }
0x1e: {  	s7 =	smul.u32 @!p0 $0xF7A, s2;
	p2 =	seq.s32 @!p0 s5, $0x0  }
0x1f: {  	s9 =	smul.u32 $0xF7A, s1;
	s8 =	simm.s32 @!p0 $0x1BF5;
	p2 =	por !p2, p0  }
0x20: {  	[sflag:s8] =	ssyncset.s32 @!p0 $0xFFFFF086;
	s6 =	sadd.s32 @!p0 s3, s7;
	s7 =	simm.s32 @!p0 $0x108  }
0x21: {  	s3 =	sadd.s32 s3, s9;
	s6 =	sadd.s32 @!p0 $0x88, s6;
	s7 =	simm.s32 @p2 $0x1082  }
0x22: {  	[simem:s7], [sflag:s8] =	dma.local @!p0 [hbm:s6], $0xF7A  }
0x23: {  	s9 =	sor.u32 $0xD0000000, s2;
	s6 =	simm.s32 $0x108;
	_ =	swait.ge @!p0 [sflag:s8], $0x0  }
0x24: {  	s3 =	sadd.s32 $0x88, s3;
	s6 =	simm.s32 @!p1 $0x1082;
	[sflag:s4] =	ssyncset.s32 $0xFFFFF086  }
0x25: {  	[simem:s6], [sflag:s4] =	dma.local [hbm:s3], $0xF7A  }
0x26: {  	[smem:$0x3F9F] =	sst s1;
	(tag) =	ssettag s2;
	_ =	strace s9  }
0x27: {  	s1 =	sld [smem:$0x3FAF]  }
0x28: {  	s2 =	sld [smem:$0x3FB0]  }
0x29: {  	s4 =	sld [smem:$0x3FB2]  }
0x2a: {  	p0 =	seq.s32 s5, $0x0;
	s5 =	sld [smem:$0x3FB3]  }
0x2b: {  	s6 =	sld [smem:$0x3FB4]  }
0x2c: {  	s7 =	sld [smem:$0x3FB5]  }
0x2d: {  	s3 =	simm.s32 $0x108;
	s8 =	sld [smem:$0x3FB6]  }
0x2e: {  	s3 =	simm.s32 @!p0 $0x1082;
	s9 =	sld [smem:$0x3FB7]  }
0x2f: {  	lr =	sadd.s32 s0, s3;
	s0 =	sld [smem:$0x3FAE]  }
0x30: {  	s3 =	sld [smem:$0x3FB1]  }
0x31: {  	[smem:$0x3FBA] =	sst s10  }
0x32: {  	s10 =	sld [smem:$0x3FB8];
	_ =	sdelay $0x3  }
0x33: {  	p0 =	seq.s32 s10, $0x1;
	s10 =	sld [smem:$0x3FBA];
	_ =	sdelay $0x3  }
0x34: {  	[smem:$0x3FBA] =	sst s10  }
0x35: {  	s10 =	sld [smem:$0x3FB9];
	_ =	sdelay $0x3  }
0x36: {  	p1 =	seq.s32 s10, $0x1;
	s10 =	sld [smem:$0x3FBA];
	_ =	sdelay $0x3  }
0x37: {  	[smem:$0x3FBA] =	sst s10  }
0x38: {  	s10 =	sld [smem:$0x3FBB]  }
0x39: {  	_ = 	snop;
	(pc) =	sbr.ind lr, $3  }
0x3a: {  	_ = 	snop  }
0x3b: {  	_ = 	snop  }
0x3c: {  	p2 =	seq.s32 s10, $0x1;
	s10 =	sld [smem:$0x3FBA]  }
0x3d: {  	_ =	shalt  }
0x3e: {  	_ =	shalt  }
0x3f: {  	_ =	shalt  }
0x40: {  	_ =	shalt  }
0x41: {  	_ =	shalt  }
0x42: {  	_ =	shalt  }
0x43: {  	_ =	shalt  }
0x44: {  	_ =	shalt  }
0x45: {  	_ =	shalt  }
0x46: {  	_ =	shalt  }
0x47: {  	_ =	shalt  }
0x48: {  	_ =	shalt  }
0x49: {  	_ =	shalt  }
0x4a: {  	_ =	shalt  }
0x4b: {  	_ =	shalt  }
0x4c: {  	_ =	shalt  }
0x4d: {  	_ =	shalt  }
0x4e: {  	_ =	shalt  }
0x4f: {  	_ =	shalt  }
0x50: {  	_ =	shalt  }
0x51: {  	_ =	shalt  }
0x52: {  	_ =	shalt  }
0x53: {  	_ =	shalt  }
0x54: {  	_ =	shalt  }
0x55: {  	_ =	shalt  }
0x56: {  	_ =	shalt  }
0x57: {  	_ =	shalt  }
0x58: {  	_ =	shalt  }
0x59: {  	_ =	shalt  }
0x5a: {  	_ =	shalt  }
0x5b: {  	_ =	shalt  }
0x5c: {  	_ =	shalt  }
0x5d: {  	_ =	shalt  }
0x5e: {  	_ =	shalt  }
0x5f: {  	_ =	shalt  }
0x60: {  	_ =	shalt  }
0x61: {  	_ =	shalt  }
0x62: {  	_ =	shalt  }
0x63: {  	_ =	shalt  }
0x64: {  	_ =	shalt  }
0x65: {  	_ =	shalt  }
0x66: {  	_ =	shalt  }
0x67: {  	_ =	shalt  }
0x68: {  	_ =	shalt  }
0x69: {  	_ =	shalt  }
0x6a: {  	_ =	shalt  }
0x6b: {  	_ =	shalt  }
0x6c: {  	_ =	shalt  }
0x6d: {  	_ =	shalt  }
0x6e: {  	_ =	shalt  }
0x6f: {  	_ =	shalt  }
0x70: {  	_ =	shalt  }
0x71: {  	_ =	shalt  }
0x72: {  	_ =	shalt  }
0x73: {  	_ =	shalt  }
0x74: {  	_ =	shalt  }
0x75: {  	_ =	shalt  }
0x76: {  	_ =	shalt  }
0x77: {  	_ =	shalt  }
0x78: {  	_ =	shalt  }
0x79: {  	_ =	shalt  }
0x7a: {  	_ =	shalt  }
0x7b: {  	_ =	shalt  }
0x7c: {  	_ =	shalt  }
0x7d: {  	_ =	shalt  }
0x7e: {  	_ =	shalt  }
0x7f: {  	_ =	shalt  }
0x80: {  	_ =	shalt  }
0x81: {  	_ =	shalt  }
0x82: {  	_ =	shalt  }
0x83: {  	_ =	shalt  }
0x84: {  	_ =	shalt  }
0x85: {  	_ =	shalt  }
0x86: {  	_ =	shalt  }
0x87: {  	_ =	shalt  }
.Lfunc_end0:
.L_simem_size_0:
called_computation_lowered:
.L_overlay_start_0:
0x88: {  	s2 =	sld [smem:$0x3FD9]  }
0x89: {  	s3 =	sld [smem:$0x3FFE];
	_ =	sdelay $0x1  }
0x8a: {  	s1 =	srdreg.scid  }
0x8b: {  	s0 =	sand.u32 $0x1, s1  }
0x8c: {  	s17 =	sshll.u32 s0, $0xA;
	s2 =	sadd.s32 s3, s2  }
0x8d: {  	s2 =	sadd.s32 s2, s17  }
0x8e: {  	[smem:$0x3FC6] =	sst s2  }
0x8f: {  	_ = 	snop  }
0x90: {  	s2 =	sld [smem:$0x3FC9]  }
0x91: {  	s18 =	sld [smem:$0x3FD0];
	(tm) =	ssettm $0x1  }
0x92: {  	s4 =	sld [smem:$0x3FFB];
	_ =	sdelay $0x3  }
0x93: {  	_ =	strace s4  }
0x94: {  	s4 =	sld [smem:$0x3FFC];
	_ =	sdelay $0x3  }
0x95: {  	_ =	strace s4  }
0x96: {  	s4 =	sld [smem:$0x3FFD];
	_ =	sdelay $0x3  }
0x97: {  	_ =	strace s4  }
0x98: {  	_ =	strace $0x8FFFFFFF  }
0x99: {  	s19 =	sld [smem:$0x3FDB];
	_ =	sdelay $0x1  }
0x9a: {  	s5 =	simm.s32 $_scs_section_size  }
0x9b: {  	s6 =	simm.s32 $_size__tile_overlayer_lowered;
	s7 =	simm.s32 $_tile_overlayer_lowered  }
0x9c: {  	s22 =	simm.s32 $0x1BFF;
	s21 =	sshll.u32 s7, $0x1;
	s4 =	sadd.s32 s5, s19  }
0x9d: {  	s8 =	simm.s32 $0x0;
	s20 =	sshll.u32 s6, $0x1;
	s6 =	sadd.s32 s21, s4  }
0x9e: {  	[timem:s8], [sflag:s22] =	dma.local [hbm:s6], s20  }
0x9f: {  	_ =	swait.ge [sflag:s22], s20  }
0xa0: {  	s5 =	ssub.s32 $0x0, s20;
	[sflag:s22] =	ssyncset.done $0x0  }
0xa1: {  	[sflag:s22] =	ssyncadd.s32 s5;
	_ =	sdelay $0x1  }
0xa2: {  	s23 =	simm.s32 $0x1B8B  }
0xa3: {  	_ =	swait.ge [sflag:s23], $0x1  }
0xa4: {  	[sflag:s23] =	ssyncset.done $0x0  }
0xa5: {  	s25 =	simm.s32 $0x1B8E;
	s24 =	sld [smem:$0x3FFE];
	[sflag:s23] =	ssyncadd.s32 $0xFFFFFFFF  }
0xa6: {  	s26 =	simm.s32 $execute0_lowered;
	[smem:$0x3FD2] =	sst s25  }
0xa7: {  	s6 =	sshll.u32 s26, $0x1;
	_ =	strace $0x80000046;
	[dreg:$0x1] =	wrdreg $0xFFFFFFFF  }
0xa8: {  	s28 =	simm.s32 $_size_execute0_lowered;
	s4 =	sadd.s32 s4, s6;
	[dreg:$0x0] =	wrdreg $0x0  }
0xa9: {  	s6 =	sshll.u32 s28, $0x1;
	[dreg:$0x2] =	wrdreg s4  }
0xaa: {  	[dreg:$0x3] =	wrdreg s6  }
0xab: {  	[dreg:$0x4] =	wrdreg $0xC0  }
0xac: {  	_ =	task [dreg:s8], $0x5FFFF  }
0xad: {  	[dreg:$0x1] =	wrdreg $0xFFFFFFFF  }
0xae: {  	[dreg:$0x0] =	wrdreg $0x60  }
0xaf: {  	[dreg:$0x2] =	wrdreg s2  }
0xb0: {  	[dreg:$0x3] =	wrdreg s24  }
0xb1: {  	[dreg:$0x4] =	wrdreg s18  }
0xb2: {  	[dreg:$0x5] =	wrdreg $0x9  }
0xb3: {  	_ =	task.clear_ibuf [dreg:s8], $0x6FFFF;
	_ =	strace $0x90000046  }
0xb4: {  	s29 =	simm.s32 $0x9;
	_ =	strace $0x80000048  }
0xb5: {  	_ =	swait.ge [sflag:s29], $0x1  }
0xb6: {  	[sflag:s29] =	ssyncadd.s32 $0xFFFFFFFF  }
0xb7: {  	_ =	strace $0x90000048  }
0xb8: {  	_ =	sfence  }
0xb9: {  	s30 =	sld [smem:$0x0];
	_ =	sdelay $0x2  }
0xba: {  	s31 =	sshll.u32 s1, $0xD;
	s1 =	sshrl.u32 s1, $0x2  }
0xbb: {  	s3 =	sand.u32 $0x4000, s31;
	s1 =	sadd.s32 s1, s30  }
0xbc: {  	s0 =	sor.u32 s3, s0;
	s1 =	sshll.u32 s1, $0x11  }
0xbd: {  	s0 =	sor.u32 s1, s0  }
0xbe: {  	s0 =	sadd.s32 $0x8F2B, s0  }
0xbf: {  	[sflag:s0] =	ssyncadd.remote.s32 $0x1  }
0xc0: {  	_ =	sfence.sel $0xFFFF  }
0xc1: {  	[dreg:$0x0] =	wrdreg $0xFFFFFFFF;
	(pc) =	sbr.abs _section_cstart, $3  }
0xc2: {  	[dreg:$0x1] =	wrdreg $0xFFFFFFFF  }
0xc3: {  	_ =	task.clear_ibuf [dreg:s8], $0x2FFFF;
	_ =	strace $0x9FFFFFFF  }
0xc4: {  	(tm) =	ssettm $0x7FFFFFFF  }
0xc5: {  	_ =	shalt  }
tec
execute0_lowered:
.L_overlay_start_1:
0x0: {  	(tag) =	ssettag $0x1  }
0x1: {  	s0 =	rddreg [dreg:$0x0]  }
0x2: {  	s1 =	rddreg [dreg:$0x1]  }
0x3: {  	s2 =	rddreg [dreg:$0x2];
	s3 =	simm.s32 $0x0;
	s4 =	srdreg.scid  }
0x4: {  	s5 =	stileid.u32;
	[smem:$0x7FF] =	sst s3  }
0x5: {  	s4 =	sand.u32 $0x1, s4;
	s5 =	sshll.u32 s5, $0x1;
	s11 =	sadd.s32 $0x4000, s2  }
0x6: {  	s12 =	sadd.s32 $0x8000, s2;
	s15 =	sadd.s32 $0xC000, s2;
	s17 =	sadd.s32 $0x10000, s2  }
0x7: {  	s18 =	sadd.s32 $0x14000, s2;
	s22 =	sadd.s32 $0x18000, s2;
	s7 =	sor.u32 s4, s5  }
0x8: {  	s23 =	sadd.s32 $0x1C000, s2;
	s5 =	sshll.u32 s7, $0xC;
	s7 =	sshll.u32 s7, $0x9  }
0x9: {  	_ =	strace $0x80000047;
	s6 =	ssub.s32 $0x2, s4;
	s0 =	sadd.s32 s0, s7  }
0xa: {  	s4 =	sadd.s32 $0x400, s1;
	s28 =	sadd.s32 s7, s11;
	[dreg:$0x4] =	wrdreg s0  }
0xb: {  	s24 =	sshrl.u32 s6, $0x1;
	s29 =	sadd.s32 s7, s12;
	[dreg:$0x8] =	wrdreg s28  }
0xc: {  	s1 =	ssub.s32 s6, s24;
	s30 =	sadd.s32 s7, s15;
	[dreg:$0x9] =	wrdreg s29  }
0xd: {  	s8 =	sshrl.u32 s5, $0x3;
	s10 =	sadd.s32 s7, s18;
	[dreg:$0xa] =	wrdreg s30  }
0xe: {  	s6 =	sadd.s32 $0x1FC80, s5;
	s14 =	sadd.s32 s7, s22;
	[dreg:$0xc] =	wrdreg s10  }
0xf: {  	s8 =	sadd.s32 s4, s8;
	[dreg:$0xd] =	wrdreg s14;
	s16 =	smax.u32 s1, $0x1  }
0x10: {  	s9 =	sshrl.u32 s6, $0x3;
	s25 =	sadd.s32 $0x3F10, s8;
	[dreg:$0x10] =	wrdreg s16  }
0x11: {  	s21 =	sadd.s32 $0x1F480, s5;
	s26 =	sadd.s32 s4, s9;
	[dreg:$0x5] =	wrdreg s25  }
0x12: {  	s13 =	sshrl.u32 s21, $0x3;
	s9 =	sadd.s32 s7, s17;
	[dreg:$0x6] =	wrdreg s26  }
0x13: {  	s8 =	sadd.s32 s2, s7;
	s7 =	sadd.s32 s7, s23;
	[dreg:$0xb] =	wrdreg s9  }
0x14: {  	s0 =	sadd.s32 s4, s13;
	[dreg:$0xe] =	wrdreg s7  }
0x15: {  	[dreg:$0xf] =	wrdreg s0  }
0x16: {  	s19 =	sadd.s32 $0x20000, s8;
	[dreg:$0x7] =	wrdreg s8  }
0x17: {  	s20 =	sadd.s32 $0x24000, s8;
	[dreg:$0x11] =	wrdreg s19  }
0x18: {  	s24 =	sadd.s32 $0x28000, s8;
	[dreg:$0x12] =	wrdreg s20  }
0x19: {  	s31 =	simm.s32 $0x2;
	s25 =	sadd.s32 $0x2C000, s8;
	[dreg:$0x13] =	wrdreg s24  }
0x1a: {  	s10 =	simm.s32 $0x10700;
	s26 =	sadd.s32 $0x30000, s8;
	[dreg:$0x14] =	wrdreg s25  }
0x1b: {  	s14 =	simm.s32 $0x12700;
	s28 =	sadd.s32 $0x34000, s8;
	[dreg:$0x15] =	wrdreg s26  }
0x1c: {  	s1 =	simm.s32 $0x0;
	s29 =	sadd.s32 $0x38000, s8;
	[dreg:$0x16] =	wrdreg s28  }
0x1d: {  	s16 =	simm.s32 $0x1000;
	s30 =	sadd.s32 $0x3C000, s8;
	[dreg:$0x17] =	wrdreg s29  }
0x1e: {  	s13 =	simm.s32 $0x11700;
	s9 =	simm.s32 $0xF700;
	[dreg:$0x18] =	wrdreg s30  }
0x1f: {  	s19 =	simm.s32 $0x1;
	s20 =	simm.s32 $0x3;
	s24 =	simm.s32 $0x4  }
.LBB2_1:
0x20: {  	[dreg:$0x19] =	wrdreg s1  }
0x21: {  	s0 =	rddreg [dreg:$0x4];
	s26 =	simm.s32 $0x5  }
0x22: {  	[tilespmem:s3], [sflag:$0x5] =	stream.linear.gather [hbm4b:s0+s3], $0x1000, $0x38;
	[tilespmem:$0x13700] =	vst v63  }
0x23: {  	_ =	swait.ge [sflag:s26], $0x1000  }
0x24: {  	[sflag:s26] =	ssyncset.done $0x0  }
0x25: {  	s7 =	simm.s32 $0x2380;
	s29 =	rddreg [dreg:$0x5];
	[sflag:s26] =	ssyncadd.s32 $0xFFFFF000  }
0x26: {  	[tilespmem:s7], [sflag:$0x2] =	stream.linear.gather [hbm4b:s29+s3], $0x1380, $0x38;
	[tilespmem:$0x13700] =	vst v63  }
0x27: {  	s30 =	rddreg [dreg:$0x6]  }
0x28: {  	[tilespmem:s16], [sflag:$0x5] =	stream.linear.gather [hbm4b:s30+s3], $0x1380, $0x38;
	[tilespmem:$0x13700] =	vst v63  }
0x29: {  	_ =	swait.ge [sflag:s26], $0x1380  }
0x2a: {  	[sflag:s26] =	ssyncset.done $0x0  }
0x2b: {  	s25 =	simm.s32 $0x0;
	s0 =	simm.s32 $0x0;
	[sflag:s26] =	ssyncadd.s32 $0xFFFFEC80  }
0x2c: {  	s26 =	sand.u32 $0xFE0, s0;
	v0 =	vld [tilespmem:s25+$0x0]  }
0x2d: {  	v2 =	vld [tilespmem:s26+$0x1380];
	_ =	sdelay $0x1  }
0x2e: {  	v1 =	vld [tilespmem:s25+$0x10]  }
0x2f: {  	v3 =	vld [tilespmem:s25+$0x1390]  }
0x30: {  	v4 =	vld [tilespmem:s25+$0x1310]  }
0x31: {  	v5 =	vld [tilespmem:s25+$0x1290];
	v2 =	vadd.f32 v2, v0  }
0x32: {  	v6 =	vld [tilespmem:s25+$0x1210]  }
0x33: {  	v7 =	vld [tilespmem:s25+$0x1190];
	[tilespmem:s25+$0x3700] =	vst v2  }
0x34: {  	v2 =	vadd.f32 v3, v1;
	v3 =	vld [tilespmem:s26+$0x1300]  }
0x35: {  	v4 =	vadd.f32 v4, v1;
	v8 =	vld [tilespmem:s26+$0x1280]  }
0x36: {  	v9 =	vld [tilespmem:s26+$0x1200];
	[tilespmem:s25+$0x3710] =	vst v2;
	v2 =	vadd.f32 v5, v1  }
0x37: {  	[tilespmem:s25+$0x4710] =	vst v4;
	v4 =	vld [tilespmem:s26+$0x1180];
	v5 =	vadd.f32 v6, v1  }
0x38: {  	v6 =	vadd.f32 v7, v1;
	[tilespmem:s25+$0x5710] =	vst v2;
	v2 =	vld [tilespmem:s26+$0x1100]  }
0x39: {  	[tilespmem:s25+$0x6710] =	vst v5;
	v5 =	vld [tilespmem:s26+$0x1080];
	v7 =	vadd.f32 v3, v0  }
0x3a: {  	[tilespmem:s25+$0x7710] =	vst v6;
	v3 =	vld [tilespmem:s25+$0x1110];
	v8 =	vadd.f32 v8, v0  }
0x3b: {  	s28 =	simm.s32 $0x80;
	v6 =	vld [tilespmem:s25+$0x1090];
	[tilespmem:s26+$0x4700] =	vst v7;
	v7 =	vadd.f32 v9, v0  }
.LBB2_2:
0x3c: {  	s0 =	sadd.s32 $0x20, s0;
	s1 =	sshra.s32 s28, $0x2;
	[tilespmem:s26+$0x5700] =	vst v8;
	v4 =	vadd.f32 v4, v0;
	v8 =	vld [tilespmem:s25+$0x1010]  }
0x3d: {  	v9 =	vld [tilespmem:s1+$0x0];
	s29 =	sand.u32 $0xFE0, s0;
	[tilespmem:s26+$0x6700] =	vst v7;
	v2 =	vadd.f32 v2, v0  }
0x3e: {  	v7 =	vld [tilespmem:s29+$0x1380];
	[tilespmem:s26+$0x7700] =	vst v4;
	v4 =	vadd.f32 v5, v0  }
0x3f: {  	v5 =	vld [tilespmem:s1+$0x10];
	[tilespmem:s26+$0x8700] =	vst v2;
	v2 =	vadd.f32 v3, v1  }
0x40: {  	v3 =	vld [tilespmem:s1+$0x1390];
	[tilespmem:s26+$0x9700] =	vst v4;
	v4 =	vadd.f32 v6, v1  }
0x41: {  	p0 =	slt.u32 s0, $0xFE0;
	v6 =	vld [tilespmem:s25+$0x1000];
	[tilespmem:s25+$0x8710] =	vst v2;
	v10 =	vadd.f32 v8, v1  }
0x42: {  	v2 =	vld [tilespmem:s1+$0x1310];
	[tilespmem:s25+$0x9710] =	vst v4  }
0x43: {  	v4 =	vadd.f32 v7, v9;
	v7 =	vld [tilespmem:s1+$0x1290];
	[tilespmem:s25+$0xA710] =	vst v10;
	s25 =	smov.u32 s1  }
0x44: {  	v8 =	vld [tilespmem:s25+$0x1210];
	v1 =	vmov v5  }
0x45: {  	[tilespmem:s25+$0x3700] =	vst v4;
	v3 =	vadd.f32 v3, v1;
	v5 =	vld [tilespmem:s25+$0x1190]  }
0x46: {  	v10 =	vld [tilespmem:s29+$0x1300];
	v4 =	vadd.f32 v6, v0;
	v0 =	vmov v9  }
0x47: {  	v6 =	vld [tilespmem:s29+$0x1280];
	[tilespmem:s25+$0x3710] =	vst v3;
	v2 =	vadd.f32 v2, v1  }
0x48: {  	v9 =	vld [tilespmem:s29+$0x1200];
	v3 =	vadd.f32 v7, v1;
	[tilespmem:s26+$0xA700] =	vst v4;
	s26 =	smov.u32 s29  }
.Ltmp0:
0x49: {  	v4 =	vld [tilespmem:s26+$0x1180];
	[tilespmem:s25+$0x4710] =	vst v2;
	v7 =	vadd.f32 v8, v1;
	(pc) =	sbr.rel @p0 .LBB2_2-.Ltmp0, $4  }
0x4a: {  	v2 =	vld [tilespmem:s26+$0x1100];
	[tilespmem:s25+$0x5710] =	vst v3;
	v3 =	vadd.f32 v5, v1  }
0x4b: {  	v10 =	vadd.f32 v10, v0;
	v5 =	vld [tilespmem:s26+$0x1080];
	[tilespmem:s25+$0x6710] =	vst v7  }
0x4c: {  	v8 =	vadd.f32 v6, v0;
	[tilespmem:s25+$0x7710] =	vst v3;
	v3 =	vld [tilespmem:s25+$0x1110]  }
0x4d: {  	s28 =	sadd.s32 $0x80, s28;
	[tilespmem:s26+$0x4700] =	vst v10;
	v7 =	vadd.f32 v9, v0;
	v6 =	vld [tilespmem:s25+$0x1090]  }
0x4e: {  	[tilespmem:s26+$0x5700] =	vst v8;
	v4 =	vadd.f32 v4, v0  }
0x4f: {  	[tilespmem:s26+$0x6700] =	vst v7;
	v2 =	vadd.f32 v2, v0  }
0x50: {  	[tilespmem:s26+$0x7700] =	vst v4;
	v4 =	vadd.f32 v5, v0  }
0x51: {  	[tilespmem:s26+$0x8700] =	vst v2  }
0x52: {  	v2 =	vld [tilespmem:s25+$0x1010];
	[tilespmem:s26+$0x9700] =	vst v4  }
0x53: {  	v4 =	vld [tilespmem:s25+$0x1000];
	_ =	sdelay $0x1  }
0x54: {  	v3 =	vadd.f32 v3, v1  }
0x55: {  	v5 =	vadd.f32 v6, v1  }
0x56: {  	[tilespmem:s25+$0x8710] =	vst v3;
	v1 =	vadd.f32 v2, v1  }
0x57: {  	[tilespmem:s25+$0x9710] =	vst v5;
	v0 =	vadd.f32 v4, v0  }
0x58: {  	[tilespmem:s25+$0xA710] =	vst v1  }
0x59: {  	[tilespmem:s26+$0xA700] =	vst v0  }
0x5a: {  	s0 =	simm.s32 $0x0;
	s7 =	simm.s32 $0x3700;
	s1 =	rddreg [dreg:$0x7]  }
0x5b: {  	[hbm4b:s1+s0] =	stream.linear.scatter [tilespmem:s7], [sflag:$0x3], $0x1000, $0x38;
	[tilespmem:$0x13700] =	vst v63  }
0x5c: {  	s26 =	simm.s32 $0x4700;
	s25 =	rddreg [dreg:$0x8]  }
0x5d: {  	[hbm4b:s25+s0] =	stream.linear.scatter [tilespmem:s26], [sflag:$0x3], $0x1000, $0x38;
	[tilespmem:$0x13700] =	vst v63  }
0x5e: {  	s30 =	simm.s32 $0x5700;
	s29 =	rddreg [dreg:$0x9]  }
0x5f: {  	[hbm4b:s29+s0] =	stream.linear.scatter [tilespmem:s30], [sflag:$0x3], $0x1000, $0x38;
	[tilespmem:$0x13700] =	vst v63  }
0x60: {  	s8 =	simm.s32 $0x6700;
	s7 =	rddreg [dreg:$0xa]  }
0x61: {  	[hbm4b:s7+s0] =	stream.linear.scatter [tilespmem:s8], [sflag:$0x3], $0x1000, $0x38;
	[tilespmem:$0x13700] =	vst v63  }
0x62: {  	s25 =	rddreg [dreg:$0xb];
	s26 =	simm.s32 $0x7700  }
0x63: {  	[hbm4b:s25+s0] =	stream.linear.scatter [tilespmem:s26], [sflag:$0x3], $0x1000, $0x38;
	[tilespmem:$0x13700] =	vst v63  }
0x64: {  	s29 =	rddreg [dreg:$0xc];
	s30 =	simm.s32 $0x8700  }
0x65: {  	[hbm4b:s29+s0] =	stream.linear.scatter [tilespmem:s30], [sflag:$0x3], $0x1000, $0x38;
	[tilespmem:$0x13700] =	vst v63  }
0x66: {  	s8 =	rddreg [dreg:$0xd];
	s25 =	simm.s32 $0x9700  }
0x67: {  	[hbm4b:s8+s0] =	stream.linear.scatter [tilespmem:s25], [sflag:$0x3], $0x1000, $0x38;
	[tilespmem:$0x13700] =	vst v63  }
0x68: {  	s26 =	rddreg [dreg:$0xe];
	s29 =	simm.s32 $0xA700  }
0x69: {  	[hbm4b:s26+s0] =	stream.linear.scatter [tilespmem:s29], [sflag:$0x3], $0x1000, $0x38;
	[tilespmem:$0x13700] =	vst v63  }
0x6a: {  	s30 =	rddreg [dreg:$0xf]  }
0x6b: {  	[tilespmem:s16], [sflag:$0x1] =	stream.linear.gather [hbm4b:s30+s0], $0x1380, $0x38;
	[tilespmem:$0x13700] =	vst v63  }
0x6c: {  	_ =	swait.ge [sflag:s31], $0x1380  }
0x6d: {  	[sflag:s31] =	ssyncset.done $0x0  }
0x6e: {  	s25 =	simm.s32 $0x0;
	s0 =	simm.s32 $0x0;
	[sflag:s31] =	ssyncadd.s32 $0xFFFFEC80  }
0x6f: {  	s26 =	sand.u32 $0xFE0, s0;
	v0 =	vld [tilespmem:s25+$0x0]  }
0x70: {  	v2 =	vld [tilespmem:s26+$0x2700];
	_ =	sdelay $0x1  }
0x71: {  	v1 =	vld [tilespmem:s25+$0x10]  }
0x72: {  	v3 =	vld [tilespmem:s25+$0x2710]  }
0x73: {  	v4 =	vld [tilespmem:s25+$0x2690]  }
0x74: {  	v5 =	vld [tilespmem:s25+$0x2610];
	v2 =	vadd.f32 v2, v0  }
0x75: {  	v6 =	vld [tilespmem:s25+$0x2590]  }
0x76: {  	v7 =	vld [tilespmem:s25+$0x2510];
	[tilespmem:s25+$0xB700] =	vst v2  }
0x77: {  	v2 =	vadd.f32 v3, v1;
	v3 =	vld [tilespmem:s26+$0x2680]  }
0x78: {  	v4 =	vadd.f32 v4, v1;
	v8 =	vld [tilespmem:s26+$0x2600]  }
0x79: {  	v9 =	vld [tilespmem:s26+$0x2580];
	[tilespmem:s25+$0xB710] =	vst v2;
	v2 =	vadd.f32 v5, v1  }
0x7a: {  	[tilespmem:s25+$0xC710] =	vst v4;
	v4 =	vld [tilespmem:s26+$0x2500];
	v5 =	vadd.f32 v6, v1  }
0x7b: {  	v6 =	vadd.f32 v7, v1;
	[tilespmem:s25+$0xD710] =	vst v2;
	v2 =	vld [tilespmem:s26+$0x2480]  }
0x7c: {  	[tilespmem:s25+$0xE710] =	vst v5;
	v5 =	vld [tilespmem:s26+$0x2400];
	v7 =	vadd.f32 v3, v0  }
0x7d: {  	[tilespmem:s25+$0xF710] =	vst v6;
	v3 =	vld [tilespmem:s25+$0x2490];
	v8 =	vadd.f32 v8, v0  }
0x7e: {  	s28 =	simm.s32 $0x80;
	v6 =	vld [tilespmem:s25+$0x2410];
	[tilespmem:s26+$0xC700] =	vst v7;
	v7 =	vadd.f32 v9, v0  }
.LBB2_4:
0x7f: {  	s0 =	sadd.s32 $0x20, s0;
	s1 =	sshra.s32 s28, $0x2;
	[tilespmem:s26+$0xD700] =	vst v8;
	v4 =	vadd.f32 v4, v0;
	v8 =	vld [tilespmem:s25+$0x2390]  }
0x80: {  	v9 =	vld [tilespmem:s1+$0x0];
	s29 =	sand.u32 $0xFE0, s0;
	[tilespmem:s26+$0xE700] =	vst v7;
	v2 =	vadd.f32 v2, v0  }
0x81: {  	v7 =	vld [tilespmem:s29+$0x2700];
	[tilespmem:s26+$0xF700] =	vst v4;
	v4 =	vadd.f32 v5, v0  }
0x82: {  	v5 =	vld [tilespmem:s1+$0x10];
	[tilespmem:s26+$0x10700] =	vst v2;
	v2 =	vadd.f32 v3, v1  }
0x83: {  	v3 =	vld [tilespmem:s1+$0x2710];
	[tilespmem:s26+$0x11700] =	vst v4;
	v4 =	vadd.f32 v6, v1  }
0x84: {  	p0 =	slt.u32 s0, $0xFE0;
	v6 =	vld [tilespmem:s25+$0x2380];
	[tilespmem:s25+$0x10710] =	vst v2;
	v10 =	vadd.f32 v8, v1  }
0x85: {  	v2 =	vld [tilespmem:s1+$0x2690];
	[tilespmem:s25+$0x11710] =	vst v4  }
0x86: {  	v4 =	vadd.f32 v7, v9;
	v7 =	vld [tilespmem:s1+$0x2610];
	[tilespmem:s25+$0x12710] =	vst v10;
	s25 =	smov.u32 s1  }
0x87: {  	v8 =	vld [tilespmem:s25+$0x2590];
	v1 =	vmov v5  }
0x88: {  	[tilespmem:s25+$0xB700] =	vst v4;
	v3 =	vadd.f32 v3, v1;
	v5 =	vld [tilespmem:s25+$0x2510]  }
0x89: {  	v10 =	vld [tilespmem:s29+$0x2680];
	v4 =	vadd.f32 v6, v0;
	v0 =	vmov v9  }
0x8a: {  	v6 =	vld [tilespmem:s29+$0x2600];
	[tilespmem:s25+$0xB710] =	vst v3;
	v2 =	vadd.f32 v2, v1  }
0x8b: {  	v9 =	vld [tilespmem:s29+$0x2580];
	v3 =	vadd.f32 v7, v1;
	[tilespmem:s26+$0x12700] =	vst v4;
	s26 =	smov.u32 s29  }
.Ltmp1:
0x8c: {  	v4 =	vld [tilespmem:s26+$0x2500];
	[tilespmem:s25+$0xC710] =	vst v2;
	v7 =	vadd.f32 v8, v1;
	(pc) =	sbr.rel @p0 .LBB2_4-.Ltmp1, $4  }
0x8d: {  	v2 =	vld [tilespmem:s26+$0x2480];
	[tilespmem:s25+$0xD710] =	vst v3;
	v3 =	vadd.f32 v5, v1  }
0x8e: {  	v10 =	vadd.f32 v10, v0;
	v5 =	vld [tilespmem:s26+$0x2400];
	[tilespmem:s25+$0xE710] =	vst v7  }
0x8f: {  	v8 =	vadd.f32 v6, v0;
	[tilespmem:s25+$0xF710] =	vst v3;
	v3 =	vld [tilespmem:s25+$0x2490]  }
0x90: {  	s28 =	sadd.s32 $0x80, s28;
	[tilespmem:s26+$0xC700] =	vst v10;
	v7 =	vadd.f32 v9, v0;
	v6 =	vld [tilespmem:s25+$0x2410]  }
0x91: {  	[tilespmem:s26+$0xD700] =	vst v8;
	v4 =	vadd.f32 v4, v0  }
0x92: {  	[tilespmem:s26+$0xE700] =	vst v7;
	v2 =	vadd.f32 v2, v0  }
0x93: {  	[tilespmem:s26+$0xF700] =	vst v4;
	v59 =	vadd.f32 v5, v0  }
0x94: {  	[tilespmem:s26+$0x10700] =	vst v2  }
0x95: {  	v60 =	vld [tilespmem:s25+$0x2390];
	[tilespmem:s26+$0x11700] =	vst v59  }
0x96: {  	v4 =	vld [tilespmem:s25+$0x2380];
	_ =	sdelay $0x1  }
0x97: {  	v3 =	vadd.f32 v3, v1  }
0x98: {  	v61 =	vadd.f32 v6, v1  }
0x99: {  	[tilespmem:s25+$0x10710] =	vst v3;
	v62 =	vadd.f32 v60, v1  }
0x9a: {  	[tilespmem:s25+$0x11710] =	vst v61;
	v63 =	vadd.f32 v4, v0  }
0x9b: {  	[tilespmem:s25+$0x12710] =	vst v62  }
0x9c: {  	[tilespmem:s26+$0x12700] =	vst v63  }
0x9d: {  	s1 =	simm.s32 $0xB700;
	s0 =	rddreg [dreg:$0x11]  }
0x9e: {  	[hbm4b:s0+s3] =	stream.linear.scatter [tilespmem:s1], [sflag:$0x4], $0x1000, $0x38;
	[tilespmem:$0x13700] =	vst v63  }
0x9f: {  	s30 =	simm.s32 $0xC700;
	s29 =	rddreg [dreg:$0x12]  }
0xa0: {  	[hbm4b:s29+s3] =	stream.linear.scatter [tilespmem:s30], [sflag:$0x4], $0x1000, $0x38;
	[tilespmem:$0x13700] =	vst v63  }
0xa1: {  	s7 =	simm.s32 $0xD700;
	s1 =	rddreg [dreg:$0x13]  }
0xa2: {  	[hbm4b:s1+s3] =	stream.linear.scatter [tilespmem:s7], [sflag:$0x4], $0x1000, $0x38;
	[tilespmem:$0x13700] =	vst v63  }
0xa3: {  	s25 =	simm.s32 $0xE700;
	s8 =	rddreg [dreg:$0x14]  }
0xa4: {  	[hbm4b:s8+s3] =	stream.linear.scatter [tilespmem:s25], [sflag:$0x4], $0x1000, $0x38;
	[tilespmem:$0x13700] =	vst v63  }
0xa5: {  	s26 =	rddreg [dreg:$0x15]  }
0xa6: {  	[hbm4b:s26+s3] =	stream.linear.scatter [tilespmem:s9], [sflag:$0x4], $0x1000, $0x38;
	[tilespmem:$0x13700] =	vst v63  }
0xa7: {  	s28 =	rddreg [dreg:$0x16]  }
0xa8: {  	[hbm4b:s28+s3] =	stream.linear.scatter [tilespmem:s10], [sflag:$0x4], $0x1000, $0x38;
	[tilespmem:$0x13700] =	vst v63  }
0xa9: {  	s29 =	rddreg [dreg:$0x17]  }
0xaa: {  	[hbm4b:s29+s3] =	stream.linear.scatter [tilespmem:s13], [sflag:$0x4], $0x1000, $0x38;
	[tilespmem:$0x13700] =	vst v63  }
0xab: {  	s30 =	rddreg [dreg:$0x18];
	s25 =	simm.s32 $0x1  }
0xac: {  	[hbm4b:s30+s3] =	stream.linear.scatter [tilespmem:s14], [sflag:$0x4], $0x1000, $0x38;
	[tilespmem:$0x13700] =	vst v63  }
.LBB2_6:
0xad: {  	s26 =	sshllo.u32 s25, $0x1  }
0xae: {  	s0 =	sshll.u32 s26, $0xA  }
0xaf: {  	s0 =	ssub.s32 s6, s0  }
0xb0: {  	s0 =	sshrl.u32 s0, $0x3  }
0xb1: {  	s1 =	simm.s32 $0x0;
	s7 =	simm.s32 $0x2380;
	s0 =	sadd.s32 s4, s0  }
0xb2: {  	[tilespmem:s7], [sflag:$0x2] =	stream.linear.gather [hbm4b:s0+s1], $0x1380, $0x38;
	[tilespmem:$0x13700] =	vst v63  }
0xb3: {  	_ =	swait.ge [sflag:s19], $0x1380  }
0xb4: {  	[sflag:s19] =	ssyncset.done $0x0  }
0xb5: {  	[sflag:s19] =	ssyncadd.s32 $0xFFFFEC80  }
0xb6: {  	_ =	swait.ge [sflag:s20], $0x8000  }
0xb7: {  	[sflag:s20] =	ssyncset.done $0x0  }
0xb8: {  	s29 =	simm.s32 $0x0;
	s0 =	simm.s32 $0x0;
	[sflag:s20] =	ssyncadd.s32 $0xFFFF8000  }
0xb9: {  	s28 =	sand.u32 $0xFE0, s0;
	v0 =	vld [tilespmem:s29+$0x0]  }
0xba: {  	v2 =	vld [tilespmem:s28+$0x1380];
	_ =	sdelay $0x1  }
0xbb: {  	v1 =	vld [tilespmem:s29+$0x10]  }
0xbc: {  	v3 =	vld [tilespmem:s29+$0x1390]  }
0xbd: {  	v4 =	vld [tilespmem:s29+$0x1310]  }
0xbe: {  	v5 =	vld [tilespmem:s29+$0x1290];
	v2 =	vadd.f32 v2, v0  }
0xbf: {  	v6 =	vld [tilespmem:s29+$0x1210]  }
0xc0: {  	v7 =	vld [tilespmem:s29+$0x1190];
	[tilespmem:s29+$0x3700] =	vst v2  }
0xc1: {  	v2 =	vadd.f32 v3, v1;
	v3 =	vld [tilespmem:s28+$0x1300]  }
0xc2: {  	v4 =	vadd.f32 v4, v1;
	v8 =	vld [tilespmem:s28+$0x1280]  }
0xc3: {  	v9 =	vld [tilespmem:s28+$0x1200];
	[tilespmem:s29+$0x3710] =	vst v2;
	v2 =	vadd.f32 v5, v1  }
0xc4: {  	[tilespmem:s29+$0x4710] =	vst v4;
	v4 =	vld [tilespmem:s28+$0x1180];
	v5 =	vadd.f32 v6, v1  }
0xc5: {  	v6 =	vadd.f32 v7, v1;
	[tilespmem:s29+$0x5710] =	vst v2;
	v2 =	vld [tilespmem:s28+$0x1100]  }
0xc6: {  	[tilespmem:s29+$0x6710] =	vst v5;
	v5 =	vld [tilespmem:s28+$0x1080];
	v7 =	vadd.f32 v3, v0  }
0xc7: {  	[tilespmem:s29+$0x7710] =	vst v6;
	v3 =	vld [tilespmem:s29+$0x1110];
	v8 =	vadd.f32 v8, v0  }
0xc8: {  	s30 =	sshll.u32 s25, $0x1;
	s1 =	simm.s32 $0x80;
	v6 =	vld [tilespmem:s29+$0x1090];
	[tilespmem:s28+$0x4700] =	vst v7;
	v7 =	vadd.f32 v9, v0  }
.LBB2_7:
0xc9: {  	s0 =	sadd.s32 $0x20, s0;
	s7 =	sshra.s32 s1, $0x2;
	[tilespmem:s28+$0x5700] =	vst v8;
	v4 =	vadd.f32 v4, v0;
	v8 =	vld [tilespmem:s29+$0x1010]  }
0xca: {  	v9 =	vld [tilespmem:s7+$0x0];
	s8 =	sand.u32 $0xFE0, s0;
	[tilespmem:s28+$0x6700] =	vst v7;
	v2 =	vadd.f32 v2, v0  }
0xcb: {  	v7 =	vld [tilespmem:s8+$0x1380];
	[tilespmem:s28+$0x7700] =	vst v4;
	v4 =	vadd.f32 v5, v0  }
0xcc: {  	v5 =	vld [tilespmem:s7+$0x10];
	[tilespmem:s28+$0x8700] =	vst v2;
	v2 =	vadd.f32 v3, v1  }
0xcd: {  	v3 =	vld [tilespmem:s7+$0x1390];
	[tilespmem:s28+$0x9700] =	vst v4;
	v4 =	vadd.f32 v6, v1  }
0xce: {  	p0 =	slt.u32 s0, $0xFE0;
	v6 =	vld [tilespmem:s29+$0x1000];
	[tilespmem:s29+$0x8710] =	vst v2;
	v10 =	vadd.f32 v8, v1  }
0xcf: {  	v2 =	vld [tilespmem:s7+$0x1310];
	[tilespmem:s29+$0x9710] =	vst v4  }
0xd0: {  	v4 =	vadd.f32 v7, v9;
	v7 =	vld [tilespmem:s7+$0x1290];
	[tilespmem:s29+$0xA710] =	vst v10;
	s29 =	smov.u32 s7  }
0xd1: {  	v8 =	vld [tilespmem:s29+$0x1210];
	v1 =	vmov v5  }
0xd2: {  	[tilespmem:s29+$0x3700] =	vst v4;
	v3 =	vadd.f32 v3, v1;
	v5 =	vld [tilespmem:s29+$0x1190]  }
0xd3: {  	v10 =	vld [tilespmem:s8+$0x1300];
	v4 =	vadd.f32 v6, v0;
	v0 =	vmov v9  }
0xd4: {  	v6 =	vld [tilespmem:s8+$0x1280];
	[tilespmem:s29+$0x3710] =	vst v3;
	v2 =	vadd.f32 v2, v1  }
0xd5: {  	v9 =	vld [tilespmem:s8+$0x1200];
	v3 =	vadd.f32 v7, v1;
	[tilespmem:s28+$0xA700] =	vst v4;
	s28 =	smov.u32 s8  }
.Ltmp2:
0xd6: {  	v4 =	vld [tilespmem:s28+$0x1180];
	[tilespmem:s29+$0x4710] =	vst v2;
	v7 =	vadd.f32 v8, v1;
	(pc) =	sbr.rel @p0 .LBB2_7-.Ltmp2, $4  }
0xd7: {  	v2 =	vld [tilespmem:s28+$0x1100];
	[tilespmem:s29+$0x5710] =	vst v3;
	v3 =	vadd.f32 v5, v1  }
0xd8: {  	v10 =	vadd.f32 v10, v0;
	v5 =	vld [tilespmem:s28+$0x1080];
	[tilespmem:s29+$0x6710] =	vst v7  }
0xd9: {  	v8 =	vadd.f32 v6, v0;
	[tilespmem:s29+$0x7710] =	vst v3;
	v3 =	vld [tilespmem:s29+$0x1110]  }
0xda: {  	s1 =	sadd.s32 $0x80, s1;
	[tilespmem:s28+$0x4700] =	vst v10;
	v7 =	vadd.f32 v9, v0;
	v6 =	vld [tilespmem:s29+$0x1090]  }
0xdb: {  	[tilespmem:s28+$0x5700] =	vst v8;
	v4 =	vadd.f32 v4, v0  }
0xdc: {  	[tilespmem:s28+$0x6700] =	vst v7;
	v2 =	vadd.f32 v2, v0  }
0xdd: {  	[tilespmem:s28+$0x7700] =	vst v4;
	v4 =	vadd.f32 v5, v0  }
0xde: {  	[tilespmem:s28+$0x8700] =	vst v2  }
0xdf: {  	v2 =	vld [tilespmem:s29+$0x1010];
	[tilespmem:s28+$0x9700] =	vst v4  }
0xe0: {  	v4 =	vld [tilespmem:s29+$0x1000];
	_ =	sdelay $0x1  }
0xe1: {  	v3 =	vadd.f32 v3, v1  }
0xe2: {  	v5 =	vadd.f32 v6, v1  }
0xe3: {  	s0 =	sshll.u32 s25, $0x15;
	[tilespmem:s29+$0x8710] =	vst v3;
	v1 =	vadd.f32 v2, v1  }
0xe4: {  	s0 =	sor.u32 s5, s0;
	[tilespmem:s29+$0x9710] =	vst v5;
	v0 =	vadd.f32 v4, v0  }
0xe5: {  	s0 =	sshrl.u32 s0, $0x3;
	[tilespmem:s29+$0xA710] =	vst v1  }
0xe6: {  	s7 =	simm.s32 $0x0;
	s8 =	simm.s32 $0x3700;
	s1 =	sadd.s32 s2, s0;
	[tilespmem:s28+$0xA700] =	vst v0  }
0xe7: {  	[hbm4b:s1+s7] =	stream.linear.scatter [tilespmem:s8], [sflag:$0x3], $0x1000, $0x38;
	[tilespmem:$0x13700] =	vst v63  }
0xe8: {  	s1 =	sadd.s32 s0, s11;
	s8 =	simm.s32 $0x4700  }
0xe9: {  	[hbm4b:s1+s7] =	stream.linear.scatter [tilespmem:s8], [sflag:$0x3], $0x1000, $0x38;
	[tilespmem:$0x13700] =	vst v63  }
0xea: {  	s1 =	sadd.s32 s0, s12;
	s8 =	simm.s32 $0x5700  }
0xeb: {  	[hbm4b:s1+s7] =	stream.linear.scatter [tilespmem:s8], [sflag:$0x3], $0x1000, $0x38;
	[tilespmem:$0x13700] =	vst v63  }
0xec: {  	s1 =	sadd.s32 s0, s15;
	s8 =	simm.s32 $0x6700  }
0xed: {  	[hbm4b:s1+s7] =	stream.linear.scatter [tilespmem:s8], [sflag:$0x3], $0x1000, $0x38;
	[tilespmem:$0x13700] =	vst v63  }
0xee: {  	s1 =	sadd.s32 s0, s17;
	s8 =	simm.s32 $0x7700  }
0xef: {  	[hbm4b:s1+s7] =	stream.linear.scatter [tilespmem:s8], [sflag:$0x3], $0x1000, $0x38;
	[tilespmem:$0x13700] =	vst v63  }
0xf0: {  	s1 =	sadd.s32 s0, s18;
	s8 =	simm.s32 $0x8700  }
0xf1: {  	[hbm4b:s1+s7] =	stream.linear.scatter [tilespmem:s8], [sflag:$0x3], $0x1000, $0x38;
	[tilespmem:$0x13700] =	vst v63  }
0xf2: {  	s1 =	sadd.s32 s0, s22;
	s8 =	simm.s32 $0x9700  }
0xf3: {  	[hbm4b:s1+s7] =	stream.linear.scatter [tilespmem:s8], [sflag:$0x3], $0x1000, $0x38;
	[tilespmem:$0x13700] =	vst v63  }
0xf4: {  	s0 =	sadd.s32 s0, s23;
	s1 =	smin.u32 s30, $0x7D;
	s30 =	simm.s32 $0xA700  }
0xf5: {  	[hbm4b:s0+s7] =	stream.linear.scatter [tilespmem:s30], [sflag:$0x3], $0x1000, $0x38;
	[tilespmem:$0x13700] =	vst v63  }
0xf6: {  	s30 =	sshll.u32 s1, $0xA  }
0xf7: {  	s0 =	ssub.s32 s21, s30  }
0xf8: {  	s0 =	sshrl.u32 s0, $0x3  }
0xf9: {  	s0 =	sadd.s32 s4, s0  }
0xfa: {  	[tilespmem:s16], [sflag:$0x1] =	stream.linear.gather [hbm4b:s0+s7], $0x1380, $0x38;
	[tilespmem:$0x13700] =	vst v63  }
0xfb: {  	_ =	swait.ge [sflag:s31], $0x1380  }
0xfc: {  	[sflag:s31] =	ssyncset.done $0x0  }
0xfd: {  	[sflag:s31] =	ssyncadd.s32 $0xFFFFEC80  }
0xfe: {  	_ =	swait.ge [sflag:s24], $0x8000  }
0xff: {  	[sflag:s24] =	ssyncset.done $0x0  }
0x100: {  	s29 =	simm.s32 $0x0;
	s0 =	simm.s32 $0x0;
	[sflag:s24] =	ssyncadd.s32 $0xFFFF8000  }
0x101: {  	s28 =	sand.u32 $0xFE0, s0;
	v0 =	vld [tilespmem:s29+$0x0]  }
0x102: {  	v2 =	vld [tilespmem:s28+$0x2700];
	_ =	sdelay $0x1  }
0x103: {  	v1 =	vld [tilespmem:s29+$0x10]  }
0x104: {  	v3 =	vld [tilespmem:s29+$0x2710]  }
0x105: {  	v4 =	vld [tilespmem:s29+$0x2690]  }
0x106: {  	v5 =	vld [tilespmem:s29+$0x2610];
	v2 =	vadd.f32 v2, v0  }
0x107: {  	v6 =	vld [tilespmem:s29+$0x2590]  }
0x108: {  	v7 =	vld [tilespmem:s29+$0x2510];
	[tilespmem:s29+$0xB700] =	vst v2  }
0x109: {  	v2 =	vadd.f32 v3, v1;
	v3 =	vld [tilespmem:s28+$0x2680]  }
0x10a: {  	v4 =	vadd.f32 v4, v1;
	v8 =	vld [tilespmem:s28+$0x2600]  }
0x10b: {  	v9 =	vld [tilespmem:s28+$0x2580];
	[tilespmem:s29+$0xB710] =	vst v2;
	v2 =	vadd.f32 v5, v1  }
0x10c: {  	[tilespmem:s29+$0xC710] =	vst v4;
	v4 =	vld [tilespmem:s28+$0x2500];
	v5 =	vadd.f32 v6, v1  }
0x10d: {  	v6 =	vadd.f32 v7, v1;
	[tilespmem:s29+$0xD710] =	vst v2;
	v2 =	vld [tilespmem:s28+$0x2480]  }
0x10e: {  	[tilespmem:s29+$0xE710] =	vst v5;
	v5 =	vld [tilespmem:s28+$0x2400];
	v7 =	vadd.f32 v3, v0  }
0x10f: {  	[tilespmem:s29+$0xF710] =	vst v6;
	v3 =	vld [tilespmem:s29+$0x2490];
	v8 =	vadd.f32 v8, v0  }
0x110: {  	s1 =	simm.s32 $0x80;
	v6 =	vld [tilespmem:s29+$0x2410];
	[tilespmem:s28+$0xC700] =	vst v7;
	v7 =	vadd.f32 v9, v0  }
.LBB2_9:
0x111: {  	s0 =	sadd.s32 $0x20, s0;
	s7 =	sshra.s32 s1, $0x2;
	[tilespmem:s28+$0xD700] =	vst v8;
	v4 =	vadd.f32 v4, v0;
	v8 =	vld [tilespmem:s29+$0x2390]  }
0x112: {  	v9 =	vld [tilespmem:s7+$0x0];
	s8 =	sand.u32 $0xFE0, s0;
	[tilespmem:s28+$0xE700] =	vst v7;
	v2 =	vadd.f32 v2, v0  }
0x113: {  	v7 =	vld [tilespmem:s8+$0x2700];
	[tilespmem:s28+$0xF700] =	vst v4;
	v4 =	vadd.f32 v5, v0  }
0x114: {  	v5 =	vld [tilespmem:s7+$0x10];
	[tilespmem:s28+$0x10700] =	vst v2;
	v2 =	vadd.f32 v3, v1  }
0x115: {  	v3 =	vld [tilespmem:s7+$0x2710];
	[tilespmem:s28+$0x11700] =	vst v4;
	v4 =	vadd.f32 v6, v1  }
0x116: {  	p0 =	slt.u32 s0, $0xFE0;
	v6 =	vld [tilespmem:s29+$0x2380];
	[tilespmem:s29+$0x10710] =	vst v2;
	v10 =	vadd.f32 v8, v1  }
0x117: {  	v2 =	vld [tilespmem:s7+$0x2690];
	[tilespmem:s29+$0x11710] =	vst v4  }
0x118: {  	v4 =	vadd.f32 v7, v9;
	v7 =	vld [tilespmem:s7+$0x2610];
	[tilespmem:s29+$0x12710] =	vst v10;
	s29 =	smov.u32 s7  }
0x119: {  	v8 =	vld [tilespmem:s29+$0x2590];
	v1 =	vmov v5  }
0x11a: {  	[tilespmem:s29+$0xB700] =	vst v4;
	v3 =	vadd.f32 v3, v1;
	v5 =	vld [tilespmem:s29+$0x2510]  }
0x11b: {  	v10 =	vld [tilespmem:s8+$0x2680];
	v4 =	vadd.f32 v6, v0;
	v0 =	vmov v9  }
0x11c: {  	v6 =	vld [tilespmem:s8+$0x2600];
	[tilespmem:s29+$0xB710] =	vst v3;
	v2 =	vadd.f32 v2, v1  }
0x11d: {  	v9 =	vld [tilespmem:s8+$0x2580];
	v3 =	vadd.f32 v7, v1;
	[tilespmem:s28+$0x12700] =	vst v4;
	s28 =	smov.u32 s8  }
.Ltmp3:
0x11e: {  	v4 =	vld [tilespmem:s28+$0x2500];
	[tilespmem:s29+$0xC710] =	vst v2;
	v7 =	vadd.f32 v8, v1;
	(pc) =	sbr.rel @p0 .LBB2_9-.Ltmp3, $4  }
0x11f: {  	v2 =	vld [tilespmem:s28+$0x2480];
	[tilespmem:s29+$0xD710] =	vst v3;
	v3 =	vadd.f32 v5, v1  }
0x120: {  	v10 =	vadd.f32 v10, v0;
	v5 =	vld [tilespmem:s28+$0x2400];
	[tilespmem:s29+$0xE710] =	vst v7  }
0x121: {  	v8 =	vadd.f32 v6, v0;
	[tilespmem:s29+$0xF710] =	vst v3;
	v3 =	vld [tilespmem:s29+$0x2490]  }
0x122: {  	s1 =	sadd.s32 $0x80, s1;
	[tilespmem:s28+$0xC700] =	vst v10;
	v7 =	vadd.f32 v9, v0;
	v6 =	vld [tilespmem:s29+$0x2410]  }
0x123: {  	[tilespmem:s28+$0xD700] =	vst v8;
	v4 =	vadd.f32 v4, v0  }
0x124: {  	[tilespmem:s28+$0xE700] =	vst v7;
	v2 =	vadd.f32 v2, v0  }
0x125: {  	[tilespmem:s28+$0xF700] =	vst v4;
	v59 =	vadd.f32 v5, v0  }
0x126: {  	[tilespmem:s28+$0x10700] =	vst v2  }
0x127: {  	v60 =	vld [tilespmem:s29+$0x2390];
	[tilespmem:s28+$0x11700] =	vst v59  }
0x128: {  	v4 =	vld [tilespmem:s29+$0x2380];
	_ =	sdelay $0x1  }
0x129: {  	v3 =	vadd.f32 v3, v1  }
0x12a: {  	v61 =	vadd.f32 v6, v1  }
0x12b: {  	s0 =	sshll.u32 s26, $0x14;
	[tilespmem:s29+$0x10710] =	vst v3;
	v62 =	vadd.f32 v60, v1  }
0x12c: {  	s0 =	sor.u32 s5, s0;
	[tilespmem:s29+$0x11710] =	vst v61;
	v63 =	vadd.f32 v4, v0  }
0x12d: {  	s0 =	sshrl.u32 s0, $0x3;
	[tilespmem:s29+$0x12710] =	vst v62  }
0x12e: {  	s7 =	simm.s32 $0xB700;
	s1 =	sadd.s32 s2, s0;
	[tilespmem:s28+$0x12700] =	vst v63  }
0x12f: {  	[hbm4b:s1+s3] =	stream.linear.scatter [tilespmem:s7], [sflag:$0x4], $0x1000, $0x38;
	[tilespmem:$0x13700] =	vst v63  }
0x130: {  	s26 =	sadd.s32 s0, s11;
	s28 =	simm.s32 $0xC700  }
0x131: {  	[hbm4b:s26+s3] =	stream.linear.scatter [tilespmem:s28], [sflag:$0x4], $0x1000, $0x38;
	[tilespmem:$0x13700] =	vst v63  }
0x132: {  	s30 =	simm.s32 $0xD700;
	s29 =	sadd.s32 s0, s12  }
0x133: {  	[hbm4b:s29+s3] =	stream.linear.scatter [tilespmem:s30], [sflag:$0x4], $0x1000, $0x38;
	[tilespmem:$0x13700] =	vst v63  }
0x134: {  	s8 =	sadd.s32 s0, s15;
	s26 =	simm.s32 $0xE700  }
0x135: {  	[hbm4b:s8+s3] =	stream.linear.scatter [tilespmem:s26], [sflag:$0x4], $0x1000, $0x38;
	[tilespmem:$0x13700] =	vst v63  }
0x136: {  	s25 =	sadd.s32 $0x1, s25;
	s28 =	sadd.s32 s0, s17  }
0x137: {  	[hbm4b:s28+s3] =	stream.linear.scatter [tilespmem:s9], [sflag:$0x4], $0x1000, $0x38;
	[tilespmem:$0x13700] =	vst v63  }
0x138: {  	p0 =	sne.s32 s25, $0x40;
	s29 =	sadd.s32 s0, s18  }
0x139: {  	[hbm4b:s29+s3] =	stream.linear.scatter [tilespmem:s10], [sflag:$0x4], $0x1000, $0x38;
	[tilespmem:$0x13700] =	vst v63  }
.Ltmp4:
0x13a: {  	_ = 	snop;
	(pc) =	sbr.rel @p0 .LBB2_6-.Ltmp4, $4  }
0x13b: {  	s30 =	sadd.s32 s0, s22  }
0x13c: {  	[hbm4b:s30+s3] =	stream.linear.scatter [tilespmem:s13], [sflag:$0x4], $0x1000, $0x38;
	[tilespmem:$0x13700] =	vst v63  }
0x13d: {  	s0 =	sadd.s32 s0, s23  }
0x13e: {  	[hbm4b:s0+s3] =	stream.linear.scatter [tilespmem:s14], [sflag:$0x4], $0x1000, $0x38;
	[tilespmem:$0x13700] =	vst v63  }
0x13f: {  	_ =	swait.ge [sflag:s19], $0x1380  }
0x140: {  	[sflag:s19] =	ssyncset.done $0x0  }
0x141: {  	[sflag:s19] =	ssyncadd.s32 $0xFFFFEC80  }
0x142: {  	_ =	swait.ge [sflag:s20], $0x8000  }
0x143: {  	[sflag:s20] =	ssyncset.done $0x0  }
0x144: {  	[sflag:s20] =	ssyncadd.s32 $0xFFFF8000  }
0x145: {  	_ =	swait.ge [sflag:s24], $0x8000  }
0x146: {  	s1 =	rddreg [dreg:$0x19]  }
0x147: {  	s0 =	rddreg [dreg:$0x10];
	s1 =	sadd.s32 $0x1, s1  }
0x148: {  	p0 =	sne.s32 s1, s0  }
.Ltmp5:
0x149: {  	_ = 	snop;
	(pc) =	sbr.rel @p0 .LBB2_1-.Ltmp5, $3  }
0x14a: {  	_ =	sdelay $0x1  }
0x14b: {  	[sflag:s24] =	ssyncset.done $0x0  }
0x14c: {  	[sflag:s24] =	ssyncadd.s32 $0xFFFF8000  }
0x14d: {  	_ =	sfence.sel $0x180000  }
0x14e: {  	[bflag:$0x0] =	sbarrier.arrive $0xFFFF  }
0x14f: {  	_ =	strace $0x90000047  }
0x150: {  	s0 =	stileid.u32;
	[bflag:$0x2] =	sbarrier.arrive $0xFFFF  }
0x151: {  	p0 =	sne.s32 s0, $0x0;
	s0 =	rddreg [dreg:$0x3]  }
0x152: {  	s0 =	sadd.s32 @!p0 $0x100000, s0  }
0x153: {  	[sflag:s0] =	ssyncadd.tile.s32 @!p0 $0x1;
	_ =	shalt  }
.Lfunc_end2:
_tile_overlayer_lowered:
.L_overlay_start_2:
0x154: {  	(tag) =	ssettag $0x2  }
0x155: {  	s0 =	rddreg [dreg:$0x0];
	s2 =	stileid.u32  }
0x156: {  	s1 =	rddreg [dreg:$0x1];
	p0 =	sne.s32 s2, $0x0  }
0x157: {  	s3 =	rddreg [dreg:$0x2];
	[bflag:$0x3] =	sbarrier.arrive $0xFFFF;
	s2 =	simm.s32 @!p0 $0x1C05  }
0x158: {  	[timem:s3], [sflag:s2] =	dma.local @!p0 [hbm:s0], s1  }
0x159: {  	s0 =	simm.s32 @!p0 $0x5  }
0x15a: {  	_ =	swait.ge @!p0 [sflag:s0], s1  }
0x15b: {  	s1 =	ssub.s32 @!p0 $0x0, s1;
	[sflag:s0] =	ssyncset.done @!p0 $0x0  }
0x15c: {  	[sflag:s0] =	ssyncadd.s32 @!p0 s1  }
0x15d: {  	[bflag:$0x3] =	sbarrier.arrive $0xFFFF  }
0x15e: {  	_ =	shalt  }

</sc_bundles>
